<compile_context>
chip_gen: v7x
topology: tpu7x:2x2x1
jax: 0.10.2.dev20260603
libtpu: 0.0.44.dev20260713+nightly
codegen_flags: <defaults>
</compile_context>

<pallas_src>
import jax
import jax.numpy as jnp
from jax.experimental import pallas as pl
from jax.experimental.pallas import tpu as pltpu

_HEADS = ('dep', 'dim', 'hm', 'reg', 'rot', 'wh')
_TILE = 32
_HW = 128


def _body(x_ref, w_ref, b_ref, w2_ref, b2_ref,
          o_dep, o_dim, o_reg, o_rot, o_wh, o_hm):
    r = pl.program_id(1)
    base = r * _TILE
    n = _TILE * _HW
    accs = [jnp.zeros((n, 64), jnp.float32) for _ in range(6)]
    for t in range(9):
        dy, dx = divmod(t, 3)
        xs = x_ref[0, pl.ds(base + dy, _TILE), dx:dx + _HW, :].reshape(n, 64)
        for j in range(6):
            accs[j] = accs[j] + jnp.dot(xs, w_ref[j, t],
                                        preferred_element_type=jnp.float32)
    outs = [o_dep, o_dim, None, o_reg, o_rot, o_wh]
    for j in range(6):
        y = jnp.maximum(accs[j] + b_ref[j], 0.0)
        if j == 2:
            z = jax.nn.sigmoid(jnp.dot(y, w2_ref[...],
                                       preferred_element_type=jnp.float32)
                               + b2_ref[...])
            o_hm[0] = z.T
        else:
            outs[j][0] = y.T


def kernel(feat16, feat8, feat4, params):
    del feat16, feat8
    b, c, h, w = feat4.shape
    s = 1.0 / jnp.sqrt(1.0 + 1e-5)

    w_taps = []
    biases = []
    for name in _HEADS:
        p = params[name]
        scale = p['gamma'] * s
        w1 = p['w1'] * scale[:, None, None, None]
        w_taps.append(jnp.transpose(w1, (2, 3, 1, 0)).reshape(9, 64, 64))
        biases.append(p['b1'] * scale + p['beta'])
    w_all = jnp.stack(w_taps).astype(jnp.bfloat16)
    b_all = jnp.stack(biases)[:, None, :]

    w2 = params['hm']['w2'][:, :, 0, 0]
    w2p = jnp.zeros((64, 8), jnp.float32).at[:, :3].set(w2.T)
    b2p = jnp.zeros((1, 8), jnp.float32).at[0, :3].set(params['hm']['b2'])

    xp = jnp.pad(jnp.transpose(feat4, (0, 2, 3, 1)),
                 ((0, 0), (1, 1), (1, 1), (0, 0))).astype(jnp.bfloat16)

    n_tiles = h // _TILE
    hw = h * w
    out_sd = jax.ShapeDtypeStruct((b, 64, hw), jnp.float32)
    grid = (b, n_tiles)

    outs = pl.pallas_call(
        _body,
        grid=grid,
        in_specs=[
            pl.BlockSpec((1, h + 2, w + 2, 64), lambda bi, r: (bi, 0, 0, 0)),
            pl.BlockSpec((6, 9, 64, 64), lambda bi, r: (0, 0, 0, 0)),
            pl.BlockSpec((6, 1, 64), lambda bi, r: (0, 0, 0)),
            pl.BlockSpec((64, 8), lambda bi, r: (0, 0)),
            pl.BlockSpec((1, 8), lambda bi, r: (0, 0)),
        ],
        out_specs=[
            pl.BlockSpec((1, 64, _TILE * w), lambda bi, r: (bi, 0, r)),
            pl.BlockSpec((1, 64, _TILE * w), lambda bi, r: (bi, 0, r)),
            pl.BlockSpec((1, 64, _TILE * w), lambda bi, r: (bi, 0, r)),
            pl.BlockSpec((1, 64, _TILE * w), lambda bi, r: (bi, 0, r)),
            pl.BlockSpec((1, 64, _TILE * w), lambda bi, r: (bi, 0, r)),
            pl.BlockSpec((1, 8, _TILE * w), lambda bi, r: (bi, 0, r)),
        ],
        out_shape=[out_sd, out_sd, out_sd, out_sd, out_sd,
                   jax.ShapeDtypeStruct((b, 8, hw), jnp.float32)],
        compiler_params=pltpu.CompilerParams(
            vmem_limit_bytes=100 * 1024 * 1024),
    )(xp, w_all, b_all, w2p, b2p)

    dep, dim, reg, rot, wh, hm8 = outs
    shape4 = (b, 64, h, w)
    hm = hm8.reshape(b, 8, h, w)[:, :3]
    return (dep.reshape(shape4), dim.reshape(shape4), hm,
            reg.reshape(shape4), rot.reshape(shape4), wh.reshape(shape4))

# --- scband reference (transcript-rebuilt; emitter-appended) ---
"""Pipeline reference for scband-dddhead-13288628814179 (READ-ONLY COPY).

The authoritative reference and input builder live on the scoring server;
editing this copy changes nothing except your own understanding.
"""

import jax, jax.numpy as jnp
import numpy as np

K = 100
NUM_CLASSES = 3
HEAD_CONV = 64
IN_CH = 64
HEAD_NAMES = ['dep', 'dim', 'hm', 'reg', 'rot', 'wh']
BN_EPS = 1e-5


def conv2d(x, w, b, pad):
    out = jax.lax.conv_general_dilated(x, w, (1, 1), pad, dimension_numbers=('NCHW', 'OIHW', 'NCHW'))
    return out + b[None, :, None, None]


def bn_eval(x, gamma, beta):
    # BatchNorm2d in eval mode with running_mean=0, running_var=1
    return (x / jnp.sqrt(1.0 + BN_EPS)) * gamma[None, :, None, None] + beta[None, :, None, None]


def _nms(heat):
    hmax = jax.lax.reduce_window(heat, -jnp.inf, jax.lax.max, (1, 1, 3, 3), (1, 1, 1, 1), 'SAME')
    keep = (hmax == heat).astype(heat.dtype)
    return heat * keep


def _topk(scores, k):
    b, c, h, w = scores.shape
    topk_scores, topk_inds = jax.lax.top_k(scores.reshape(b, c, h * w), k)
    topk_inds = topk_inds % (h * w)
    topk_ys = (topk_inds // w).astype(jnp.float32)
    topk_xs = (topk_inds % w).astype(jnp.float32)
    topk_score, topk_ind = jax.lax.top_k(topk_scores.reshape(b, c * k), k)
    topk_clses = topk_ind // k

    def g(t):
        return jnp.take_along_axis(t.reshape(b, c * k), topk_ind, axis=1)

    return topk_score, g(topk_inds), topk_clses, g(topk_ys), g(topk_xs)


def _transpose_and_gather_feat(feat, ind):
    b, c, h, w = feat.shape
    f = jnp.transpose(feat, (0, 2, 3, 1)).reshape(b, h * w, c)
    idx = jnp.broadcast_to(ind[:, :, None], (b, ind.shape[1], c))
    return jnp.take_along_axis(f, idx, axis=1)


def setup_inputs(seed: int = 0):
    key = jax.random.key(seed)
    ks = jax.random.split(key, 40)
    feat16 = jax.random.normal(ks[0], (8, 256, 64, 64), jnp.float32)
    feat8 = jax.random.normal(ks[1], (8, 128, 128, 64), jnp.float32)
    feat4 = jax.random.normal(ks[2], (8, 64, 128, 128), jnp.float32)
    params = {}
    i = 3
    for name in HEAD_NAMES:
        p = {}
        p['w1'] = jax.random.normal(ks[i], (HEAD_CONV, IN_CH, 3, 3), jnp.float32) * 0.05
        i += 1
        p['b1'] = jnp.zeros((HEAD_CONV,), jnp.float32)
        p['gamma'] = jnp.ones((HEAD_CONV,), jnp.float32)
        p['beta'] = jnp.zeros((HEAD_CONV,), jnp.float32)
        if name == 'hm':
            p['w2'] = jax.random.normal(ks[i], (NUM_CLASSES, HEAD_CONV, 1, 1), jnp.float32) * 0.05
            i += 1
            p['b2'] = jnp.full((NUM_CLASSES,), -2.19, jnp.float32)
        params[name] = p
    params['reg_3dbox'] = {'w': jax.random.normal(ks[i], (8, 64, 1, 1), jnp.float32) * 0.05,
                           'b': jnp.zeros((8,), jnp.float32)}
    return {'feat16': feat16, 'feat8': feat8, 'feat4': feat4, 'params': params}


def reference(feat16, feat8, feat4, params):
    # eval-mode path of DDDhead.forward
    results = {}
    for name in HEAD_NAMES:
        p = params[name]
        x = conv2d(feat4, p['w1'], p['b1'], 'SAME')
        x = bn_eval(x, p['gamma'], p['beta'])
        x = jax.nn.relu(x)
        if name == 'hm':
            x = conv2d(x, p['w2'], p['b2'], 'VALID')
        results[name] = x
    # heat = results['hm'].sigmoid_()  (in-place: results['hm'] becomes sigmoid)
    heat = jax.nn.sigmoid(results['hm'])
    results['hm'] = heat
    heat = _nms(heat)
    scores, inds, clses, ys, xs = _topk(heat, K)
    b, c, h, w = feat4.shape
    proj_points = jnp.clip(inds, 0, w * h - 1)
    proj_points_8 = proj_points // 2
    proj_points_16 = proj_points // 4
    up_level8_pois = _transpose_and_gather_feat(feat8, proj_points_8)
    up_level16_pois = _transpose_and_gather_feat(feat16, proj_points_16)
    up_level_pois = jnp.concatenate([up_level8_pois, up_level16_pois], axis=-1)
    reg_pois = jnp.ones((8, 64, 64, 320), jnp.float32)
    reg_pois = conv2d(reg_pois, params['reg_3dbox']['w'], params['reg_3dbox']['b'], 'VALID')
    # forward returns [results]; emit as a tuple of arrays in sorted head order
    return tuple(results[n] for n in HEAD_NAMES)

if __name__ == "__main__":
    import jax
    _d = setup_inputs()
    print(jax.jit(kernel)(*tuple(_d.values())))

</pallas_src>

<mosaic_0001>
module attributes {stable_mosaic.version = 14 : i64} {
  func.func @_body(%arg0: i32, %arg1: i32, %arg2: memref<1x130x130x64xbf16, #tpu.memory_space<vmem>>, %arg3: memref<6x9x64x64xbf16, #tpu.memory_space<vmem>>, %arg4: memref<6x1x64xf32, #tpu.memory_space<vmem>>, %arg5: memref<64x8xf32, #tpu.memory_space<vmem>>, %arg6: memref<1x8xf32, #tpu.memory_space<vmem>>, %arg7: memref<1x64x4096xf32, #tpu.memory_space<vmem>>, %arg8: memref<1x64x4096xf32, #tpu.memory_space<vmem>>, %arg9: memref<1x64x4096xf32, #tpu.memory_space<vmem>>, %arg10: memref<1x64x4096xf32, #tpu.memory_space<vmem>>, %arg11: memref<1x64x4096xf32, #tpu.memory_space<vmem>>, %arg12: memref<1x8x4096xf32, #tpu.memory_space<vmem>>) attributes {dimension_semantics = [#tpu.dimension_semantics<arbitrary>, #tpu.dimension_semantics<arbitrary>], iteration_bounds = array<i64: 8, 4>, scalar_prefetch = 0 : i64, scratch_operands = 0 : i64, tpu.core_type = #tpu.core_type<tc>, window_params = [{transform_indices = @transform_0, window_bounds = array<i64: 1, 130, 130, 64>}, {pipeline_mode = #tpu.pipeline_mode<synchronous>, transform_indices = @transform_1, window_bounds = array<i64: 6, 9, 64, 64>}, {pipeline_mode = #tpu.pipeline_mode<synchronous>, transform_indices = @transform_2, window_bounds = array<i64: 6, 1, 64>}, {pipeline_mode = #tpu.pipeline_mode<synchronous>, transform_indices = @transform_3, window_bounds = array<i64: 64, 8>}, {pipeline_mode = #tpu.pipeline_mode<synchronous>, transform_indices = @transform_4, window_bounds = array<i64: 1, 8>}, {transform_indices = @transform_5, window_bounds = array<i64: 1, 64, 4096>}, {transform_indices = @transform_6, window_bounds = array<i64: 1, 64, 4096>}, {transform_indices = @transform_7, window_bounds = array<i64: 1, 64, 4096>}, {transform_indices = @transform_8, window_bounds = array<i64: 1, 64, 4096>}, {transform_indices = @transform_9, window_bounds = array<i64: 1, 64, 4096>}, {transform_indices = @transform_10, window_bounds = array<i64: 1, 8, 4096>}]} {
    %mul3A = arith.constant 32 : i32
    %mul3A_0 = arith.muli %arg1, %mul3A : i32
    %broadcast_in_dim3A = arith.constant 0.000000e+00 : f32
    %broadcast_in_dim3A_1 = vector.broadcast %broadcast_in_dim3A : f32 to vector<4096x64xf32>
    %broadcast_in_dim3A_2 = arith.constant 0.000000e+00 : f32
    %broadcast_in_dim3A_3 = vector.broadcast %broadcast_in_dim3A_2 : f32 to vector<4096x64xf32>
    %broadcast_in_dim3A_4 = arith.constant 0.000000e+00 : f32
    %broadcast_in_dim3A_5 = vector.broadcast %broadcast_in_dim3A_4 : f32 to vector<4096x64xf32>
    %broadcast_in_dim3A_6 = arith.constant 0.000000e+00 : f32
    %broadcast_in_dim3A_7 = vector.broadcast %broadcast_in_dim3A_6 : f32 to vector<4096x64xf32>
    %broadcast_in_dim3A_8 = arith.constant 0.000000e+00 : f32
    %broadcast_in_dim3A_9 = vector.broadcast %broadcast_in_dim3A_8 : f32 to vector<4096x64xf32>
    %broadcast_in_dim3A_10 = arith.constant 0.000000e+00 : f32
    %broadcast_in_dim3A_11 = vector.broadcast %broadcast_in_dim3A_10 : f32 to vector<4096x64xf32>
    %add3A = arith.constant 0 : i32
    %add3A_12 = arith.addi %mul3A_0, %add3A : i32
    %get3A = arith.constant 0 : index
    %get3A_13 = arith.index_cast %add3A_12 : i32 to index
    %get3A_14 = arith.constant 0 : index
    %get3A_15 = arith.constant 0 : index
    %get3A_16 = vector.load %arg2[%get3A, %get3A_13, %get3A_14, %get3A_15] : memref<1x130x130x64xbf16, #tpu.memory_space<vmem>>, vector<1x32x128x64xbf16>
    %get3A_17 = vector.shape_cast %get3A_16 : vector<1x32x128x64xbf16> to vector<32x128x64xbf16>
    %reshape3A = vector.shape_cast %get3A_17 : vector<32x128x64xbf16> to vector<4096x64xbf16>
    %get3A_18 = arith.constant 0 : index
    %get3A_19 = arith.constant 0 : index
    %get3A_20 = arith.constant 0 : index
    %get3A_21 = arith.constant 0 : index
    %get3A_22 = vector.load %arg3[%get3A_18, %get3A_19, %get3A_20, %get3A_21] : memref<6x9x64x64xbf16, #tpu.memory_space<vmem>>, vector<1x1x64x64xbf16>
    %get3A_23 = vector.shape_cast %get3A_22 : vector<1x1x64x64xbf16> to vector<64x64xbf16>
    %dot_general3A = arith.constant dense<0.000000e+00> : vector<4096x64xf32>
    %dot_general3A_24 = tpu.matmul %reshape3A, %get3A_23, %dot_general3A {dimension_numbers = #tpu.dot_dimension_numbers<[1], [0], [0], [1], [0, 0, 1, 1], [], []>, transpose_lhs_hint = false} : vector<4096x64xbf16>, vector<64x64xbf16>, vector<4096x64xf32> -> vector<4096x64xf32>
    %add3A_25 = arith.addf %broadcast_in_dim3A_1, %dot_general3A_24 : vector<4096x64xf32>
    %get3A_26 = arith.constant 1 : index
    %get3A_27 = arith.constant 0 : index
    %get3A_28 = arith.constant 0 : index
    %get3A_29 = arith.constant 0 : index
    %get3A_30 = vector.load %arg3[%get3A_26, %get3A_27, %get3A_28, %get3A_29] : memref<6x9x64x64xbf16, #tpu.memory_space<vmem>>, vector<1x1x64x64xbf16>
    %get3A_31 = vector.shape_cast %get3A_30 : vector<1x1x64x64xbf16> to vector<64x64xbf16>
    %dot_general3A_32 = arith.constant dense<0.000000e+00> : vector<4096x64xf32>
    %dot_general3A_33 = tpu.matmul %reshape3A, %get3A_31, %dot_general3A_32 {dimension_numbers = #tpu.dot_dimension_numbers<[1], [0], [0], [1], [0, 0, 1, 1], [], []>, transpose_lhs_hint = false} : vector<4096x64xbf16>, vector<64x64xbf16>, vector<4096x64xf32> -> vector<4096x64xf32>
    %add3A_34 = arith.addf %broadcast_in_dim3A_3, %dot_general3A_33 : vector<4096x64xf32>
    %get3A_35 = arith.constant 2 : index
    %get3A_36 = arith.constant 0 : index
    %get3A_37 = arith.constant 0 : index
    %get3A_38 = arith.constant 0 : index
    %get3A_39 = vector.load %arg3[%get3A_35, %get3A_36, %get3A_37, %get3A_38] : memref<6x9x64x64xbf16, #tpu.memory_space<vmem>>, vector<1x1x64x64xbf16>
    %get3A_40 = vector.shape_cast %get3A_39 : vector<1x1x64x64xbf16> to vector<64x64xbf16>
    %dot_general3A_41 = arith.constant dense<0.000000e+00> : vector<4096x64xf32>
    %dot_general3A_42 = tpu.matmul %reshape3A, %get3A_40, %dot_general3A_41 {dimension_numbers = #tpu.dot_dimension_numbers<[1], [0], [0], [1], [0, 0, 1, 1], [], []>, transpose_lhs_hint = false} : vector<4096x64xbf16>, vector<64x64xbf16>, vector<4096x64xf32> -> vector<4096x64xf32>
    %add3A_43 = arith.addf %broadcast_in_dim3A_5, %dot_general3A_42 : vector<4096x64xf32>
    %get3A_44 = arith.constant 3 : index
    %get3A_45 = arith.constant 0 : index
    %get3A_46 = arith.constant 0 : index
    %get3A_47 = arith.constant 0 : index
    %get3A_48 = vector.load %arg3[%get3A_44, %get3A_45, %get3A_46, %get3A_47] : memref<6x9x64x64xbf16, #tpu.memory_space<vmem>>, vector<1x1x64x64xbf16>
    %get3A_49 = vector.shape_cast %get3A_48 : vector<1x1x64x64xbf16> to vector<64x64xbf16>
    %dot_general3A_50 = arith.constant dense<0.000000e+00> : vector<4096x64xf32>
    %dot_general3A_51 = tpu.matmul %reshape3A, %get3A_49, %dot_general3A_50 {dimension_numbers = #tpu.dot_dimension_numbers<[1], [0], [0], [1], [0, 0, 1, 1], [], []>, transpose_lhs_hint = false} : vector<4096x64xbf16>, vector<64x64xbf16>, vector<4096x64xf32> -> vector<4096x64xf32>
    %add3A_52 = arith.addf %broadcast_in_dim3A_7, %dot_general3A_51 : vector<4096x64xf32>
    %get3A_53 = arith.constant 4 : index
    %get3A_54 = arith.constant 0 : index
    %get3A_55 = arith.constant 0 : index
    %get3A_56 = arith.constant 0 : index
    %get3A_57 = vector.load %arg3[%get3A_53, %get3A_54, %get3A_55, %get3A_56] : memref<6x9x64x64xbf16, #tpu.memory_space<vmem>>, vector<1x1x64x64xbf16>
    %get3A_58 = vector.shape_cast %get3A_57 : vector<1x1x64x64xbf16> to vector<64x64xbf16>
    %dot_general3A_59 = arith.constant dense<0.000000e+00> : vector<4096x64xf32>
    %dot_general3A_60 = tpu.matmul %reshape3A, %get3A_58, %dot_general3A_59 {dimension_numbers = #tpu.dot_dimension_numbers<[1], [0], [0], [1], [0, 0, 1, 1], [], []>, transpose_lhs_hint = false} : vector<4096x64xbf16>, vector<64x64xbf16>, vector<4096x64xf32> -> vector<4096x64xf32>
    %add3A_61 = arith.addf %broadcast_in_dim3A_9, %dot_general3A_60 : vector<4096x64xf32>
    %get3A_62 = arith.constant 5 : index
    %get3A_63 = arith.constant 0 : index
    %get3A_64 = arith.constant 0 : index
    %get3A_65 = arith.constant 0 : index
    %get3A_66 = vector.load %arg3[%get3A_62, %get3A_63, %get3A_64, %get3A_65] : memref<6x9x64x64xbf16, #tpu.memory_space<vmem>>, vector<1x1x64x64xbf16>
    %get3A_67 = vector.shape_cast %get3A_66 : vector<1x1x64x64xbf16> to vector<64x64xbf16>
    %dot_general3A_68 = arith.constant dense<0.000000e+00> : vector<4096x64xf32>
    %dot_general3A_69 = tpu.matmul %reshape3A, %get3A_67, %dot_general3A_68 {dimension_numbers = #tpu.dot_dimension_numbers<[1], [0], [0], [1], [0, 0, 1, 1], [], []>, transpose_lhs_hint = false} : vector<4096x64xbf16>, vector<64x64xbf16>, vector<4096x64xf32> -> vector<4096x64xf32>
    %add3A_70 = arith.addf %broadcast_in_dim3A_11, %dot_general3A_69 : vector<4096x64xf32>
    %add3A_71 = arith.constant 0 : i32
    %add3A_72 = arith.addi %mul3A_0, %add3A_71 : i32
    %get3A_73 = arith.constant 0 : index
    %get3A_74 = arith.index_cast %add3A_72 : i32 to index
    %get3A_75 = arith.constant 1 : index
    %get3A_76 = arith.constant 0 : index
    %get3A_77 = vector.load %arg2[%get3A_73, %get3A_74, %get3A_75, %get3A_76] : memref<1x130x130x64xbf16, #tpu.memory_space<vmem>>, vector<1x32x128x64xbf16>
    %get3A_78 = vector.shape_cast %get3A_77 : vector<1x32x128x64xbf16> to vector<32x128x64xbf16>
    %reshape3A_79 = vector.shape_cast %get3A_78 : vector<32x128x64xbf16> to vector<4096x64xbf16>
    %get3A_80 = arith.constant 0 : index
    %get3A_81 = arith.constant 1 : index
    %get3A_82 = arith.constant 0 : index
    %get3A_83 = arith.constant 0 : index
    %get3A_84 = vector.load %arg3[%get3A_80, %get3A_81, %get3A_82, %get3A_83] : memref<6x9x64x64xbf16, #tpu.memory_space<vmem>>, vector<1x1x64x64xbf16>
    %get3A_85 = vector.shape_cast %get3A_84 : vector<1x1x64x64xbf16> to vector<64x64xbf16>
    %dot_general3A_86 = arith.constant dense<0.000000e+00> : vector<4096x64xf32>
    %dot_general3A_87 = tpu.matmul %reshape3A_79, %get3A_85, %dot_general3A_86 {dimension_numbers = #tpu.dot_dimension_numbers<[1], [0], [0], [1], [0, 0, 1, 1], [], []>, transpose_lhs_hint = false} : vector<4096x64xbf16>, vector<64x64xbf16>, vector<4096x64xf32> -> vector<4096x64xf32>
    %add3A_88 = arith.addf %add3A_25, %dot_general3A_87 : vector<4096x64xf32>
    %get3A_89 = arith.constant 1 : index
    %get3A_90 = arith.constant 1 : index
    %get3A_91 = arith.constant 0 : index
    %get3A_92 = arith.constant 0 : index
    %get3A_93 = vector.load %arg3[%get3A_89, %get3A_90, %get3A_91, %get3A_92] : memref<6x9x64x64xbf16, #tpu.memory_space<vmem>>, vector<1x1x64x64xbf16>
    %get3A_94 = vector.shape_cast %get3A_93 : vector<1x1x64x64xbf16> to vector<64x64xbf16>
    %dot_general3A_95 = arith.constant dense<0.000000e+00> : vector<4096x64xf32>
    %dot_general3A_96 = tpu.matmul %reshape3A_79, %get3A_94, %dot_general3A_95 {dimension_numbers = #tpu.dot_dimension_numbers<[1], [0], [0], [1], [0, 0, 1, 1], [], []>, transpose_lhs_hint = false} : vector<4096x64xbf16>, vector<64x64xbf16>, vector<4096x64xf32> -> vector<4096x64xf32>
    %add3A_97 = arith.addf %add3A_34, %dot_general3A_96 : vector<4096x64xf32>
    %get3A_98 = arith.constant 2 : index
    %get3A_99 = arith.constant 1 : index
    %get3A_100 = arith.constant 0 : index
    %get3A_101 = arith.constant 0 : index
    %get3A_102 = vector.load %arg3[%get3A_98, %get3A_99, %get3A_100, %get3A_101] : memref<6x9x64x64xbf16, #tpu.memory_space<vmem>>, vector<1x1x64x64xbf16>
    %get3A_103 = vector.shape_cast %get3A_102 : vector<1x1x64x64xbf16> to vector<64x64xbf16>
    %dot_general3A_104 = arith.constant dense<0.000000e+00> : vector<4096x64xf32>
    %dot_general3A_105 = tpu.matmul %reshape3A_79, %get3A_103, %dot_general3A_104 {dimension_numbers = #tpu.dot_dimension_numbers<[1], [0], [0], [1], [0, 0, 1, 1], [], []>, transpose_lhs_hint = false} : vector<4096x64xbf16>, vector<64x64xbf16>, vector<4096x64xf32> -> vector<4096x64xf32>
    %add3A_106 = arith.addf %add3A_43, %dot_general3A_105 : vector<4096x64xf32>
    %get3A_107 = arith.constant 3 : index
    %get3A_108 = arith.constant 1 : index
    %get3A_109 = arith.constant 0 : index
    %get3A_110 = arith.constant 0 : index
    %get3A_111 = vector.load %arg3[%get3A_107, %get3A_108, %get3A_109, %get3A_110] : memref<6x9x64x64xbf16, #tpu.memory_space<vmem>>, vector<1x1x64x64xbf16>
    %get3A_112 = vector.shape_cast %get3A_111 : vector<1x1x64x64xbf16> to vector<64x64xbf16>
    %dot_general3A_113 = arith.constant dense<0.000000e+00> : vector<4096x64xf32>
    %dot_general3A_114 = tpu.matmul %reshape3A_79, %get3A_112, %dot_general3A_113 {dimension_numbers = #tpu.dot_dimension_numbers<[1], [0], [0], [1], [0, 0, 1, 1], [], []>, transpose_lhs_hint = false} : vector<4096x64xbf16>, vector<64x64xbf16>, vector<4096x64xf32> -> vector<4096x64xf32>
    %add3A_115 = arith.addf %add3A_52, %dot_general3A_114 : vector<4096x64xf32>
    %get3A_116 = arith.constant 4 : index
    %get3A_117 = arith.constant 1 : index
    %get3A_118 = arith.constant 0 : index
    %get3A_119 = arith.constant 0 : index
    %get3A_120 = vector.load %arg3[%get3A_116, %get3A_117, %get3A_118, %get3A_119] : memref<6x9x64x64xbf16, #tpu.memory_space<vmem>>, vector<1x1x64x64xbf16>
    %get3A_121 = vector.shape_cast %get3A_120 : vector<1x1x64x64xbf16> to vector<64x64xbf16>
    %dot_general3A_122 = arith.constant dense<0.000000e+00> : vector<4096x64xf32>
    %dot_general3A_123 = tpu.matmul %reshape3A_79, %get3A_121, %dot_general3A_122 {dimension_numbers = #tpu.dot_dimension_numbers<[1], [0], [0], [1], [0, 0, 1, 1], [], []>, transpose_lhs_hint = false} : vector<4096x64xbf16>, vector<64x64xbf16>, vector<4096x64xf32> -> vector<4096x64xf32>
    %add3A_124 = arith.addf %add3A_61, %dot_general3A_123 : vector<4096x64xf32>
    %get3A_125 = arith.constant 5 : index
    %get3A_126 = arith.constant 1 : index
    %get3A_127 = arith.constant 0 : index
    %get3A_128 = arith.constant 0 : index
    %get3A_129 = vector.load %arg3[%get3A_125, %get3A_126, %get3A_127, %get3A_128] : memref<6x9x64x64xbf16, #tpu.memory_space<vmem>>, vector<1x1x64x64xbf16>
    %get3A_130 = vector.shape_cast %get3A_129 : vector<1x1x64x64xbf16> to vector<64x64xbf16>
    %dot_general3A_131 = arith.constant dense<0.000000e+00> : vector<4096x64xf32>
    %dot_general3A_132 = tpu.matmul %reshape3A_79, %get3A_130, %dot_general3A_131 {dimension_numbers = #tpu.dot_dimension_numbers<[1], [0], [0], [1], [0, 0, 1, 1], [], []>, transpose_lhs_hint = false} : vector<4096x64xbf16>, vector<64x64xbf16>, vector<4096x64xf32> -> vector<4096x64xf32>
    %add3A_133 = arith.addf %add3A_70, %dot_general3A_132 : vector<4096x64xf32>
    %add3A_134 = arith.constant 0 : i32
    %add3A_135 = arith.addi %mul3A_0, %add3A_134 : i32
    %get3A_136 = arith.constant 0 : index
    %get3A_137 = arith.index_cast %add3A_135 : i32 to index
    %get3A_138 = arith.constant 2 : index
    %get3A_139 = arith.constant 0 : index
    %get3A_140 = vector.load %arg2[%get3A_136, %get3A_137, %get3A_138, %get3A_139] : memref<1x130x130x64xbf16, #tpu.memory_space<vmem>>, vector<1x32x128x64xbf16>
    %get3A_141 = vector.shape_cast %get3A_140 : vector<1x32x128x64xbf16> to vector<32x128x64xbf16>
    %reshape3A_142 = vector.shape_cast %get3A_141 : vector<32x128x64xbf16> to vector<4096x64xbf16>
    %get3A_143 = arith.constant 0 : index
    %get3A_144 = arith.constant 2 : index
    %get3A_145 = arith.constant 0 : index
    %get3A_146 = arith.constant 0 : index
    %get3A_147 = vector.load %arg3[%get3A_143, %get3A_144, %get3A_145, %get3A_146] : memref<6x9x64x64xbf16, #tpu.memory_space<vmem>>, vector<1x1x64x64xbf16>
    %get3A_148 = vector.shape_cast %get3A_147 : vector<1x1x64x64xbf16> to vector<64x64xbf16>
    %dot_general3A_149 = arith.constant dense<0.000000e+00> : vector<4096x64xf32>
    %dot_general3A_150 = tpu.matmul %reshape3A_142, %get3A_148, %dot_general3A_149 {dimension_numbers = #tpu.dot_dimension_numbers<[1], [0], [0], [1], [0, 0, 1, 1], [], []>, transpose_lhs_hint = false} : vector<4096x64xbf16>, vector<64x64xbf16>, vector<4096x64xf32> -> vector<4096x64xf32>
    %add3A_151 = arith.addf %add3A_88, %dot_general3A_150 : vector<4096x64xf32>
    %get3A_152 = arith.constant 1 : index
    %get3A_153 = arith.constant 2 : index
    %get3A_154 = arith.constant 0 : index
    %get3A_155 = arith.constant 0 : index
    %get3A_156 = vector.load %arg3[%get3A_152, %get3A_153, %get3A_154, %get3A_155] : memref<6x9x64x64xbf16, #tpu.memory_space<vmem>>, vector<1x1x64x64xbf16>
    %get3A_157 = vector.shape_cast %get3A_156 : vector<1x1x64x64xbf16> to vector<64x64xbf16>
    %dot_general3A_158 = arith.constant dense<0.000000e+00> : vector<4096x64xf32>
    %dot_general3A_159 = tpu.matmul %reshape3A_142, %get3A_157, %dot_general3A_158 {dimension_numbers = #tpu.dot_dimension_numbers<[1], [0], [0], [1], [0, 0, 1, 1], [], []>, transpose_lhs_hint = false} : vector<4096x64xbf16>, vector<64x64xbf16>, vector<4096x64xf32> -> vector<4096x64xf32>
    %add3A_160 = arith.addf %add3A_97, %dot_general3A_159 : vector<4096x64xf32>
    %get3A_161 = arith.constant 2 : index
    %get3A_162 = arith.constant 2 : index
    %get3A_163 = arith.constant 0 : index
    %get3A_164 = arith.constant 0 : index
    %get3A_165 = vector.load %arg3[%get3A_161, %get3A_162, %get3A_163, %get3A_164] : memref<6x9x64x64xbf16, #tpu.memory_space<vmem>>, vector<1x1x64x64xbf16>
    %get3A_166 = vector.shape_cast %get3A_165 : vector<1x1x64x64xbf16> to vector<64x64xbf16>
    %dot_general3A_167 = arith.constant dense<0.000000e+00> : vector<4096x64xf32>
    %dot_general3A_168 = tpu.matmul %reshape3A_142, %get3A_166, %dot_general3A_167 {dimension_numbers = #tpu.dot_dimension_numbers<[1], [0], [0], [1], [0, 0, 1, 1], [], []>, transpose_lhs_hint = false} : vector<4096x64xbf16>, vector<64x64xbf16>, vector<4096x64xf32> -> vector<4096x64xf32>
    %add3A_169 = arith.addf %add3A_106, %dot_general3A_168 : vector<4096x64xf32>
    %get3A_170 = arith.constant 3 : index
    %get3A_171 = arith.constant 2 : index
    %get3A_172 = arith.constant 0 : index
    %get3A_173 = arith.constant 0 : index
    %get3A_174 = vector.load %arg3[%get3A_170, %get3A_171, %get3A_172, %get3A_173] : memref<6x9x64x64xbf16, #tpu.memory_space<vmem>>, vector<1x1x64x64xbf16>
    %get3A_175 = vector.shape_cast %get3A_174 : vector<1x1x64x64xbf16> to vector<64x64xbf16>
    %dot_general3A_176 = arith.constant dense<0.000000e+00> : vector<4096x64xf32>
    %dot_general3A_177 = tpu.matmul %reshape3A_142, %get3A_175, %dot_general3A_176 {dimension_numbers = #tpu.dot_dimension_numbers<[1], [0], [0], [1], [0, 0, 1, 1], [], []>, transpose_lhs_hint = false} : vector<4096x64xbf16>, vector<64x64xbf16>, vector<4096x64xf32> -> vector<4096x64xf32>
    %add3A_178 = arith.addf %add3A_115, %dot_general3A_177 : vector<4096x64xf32>
    %get3A_179 = arith.constant 4 : index
    %get3A_180 = arith.constant 2 : index
    %get3A_181 = arith.constant 0 : index
    %get3A_182 = arith.constant 0 : index
    %get3A_183 = vector.load %arg3[%get3A_179, %get3A_180, %get3A_181, %get3A_182] : memref<6x9x64x64xbf16, #tpu.memory_space<vmem>>, vector<1x1x64x64xbf16>
    %get3A_184 = vector.shape_cast %get3A_183 : vector<1x1x64x64xbf16> to vector<64x64xbf16>
    %dot_general3A_185 = arith.constant dense<0.000000e+00> : vector<4096x64xf32>
    %dot_general3A_186 = tpu.matmul %reshape3A_142, %get3A_184, %dot_general3A_185 {dimension_numbers = #tpu.dot_dimension_numbers<[1], [0], [0], [1], [0, 0, 1, 1], [], []>, transpose_lhs_hint = false} : vector<4096x64xbf16>, vector<64x64xbf16>, vector<4096x64xf32> -> vector<4096x64xf32>
    %add3A_187 = arith.addf %add3A_124, %dot_general3A_186 : vector<4096x64xf32>
    %get3A_188 = arith.constant 5 : index
    %get3A_189 = arith.constant 2 : index
    %get3A_190 = arith.constant 0 : index
    %get3A_191 = arith.constant 0 : index
    %get3A_192 = vector.load %arg3[%get3A_188, %get3A_189, %get3A_190, %get3A_191] : memref<6x9x64x64xbf16, #tpu.memory_space<vmem>>, vector<1x1x64x64xbf16>
    %get3A_193 = vector.shape_cast %get3A_192 : vector<1x1x64x64xbf16> to vector<64x64xbf16>
    %dot_general3A_194 = arith.constant dense<0.000000e+00> : vector<4096x64xf32>
    %dot_general3A_195 = tpu.matmul %reshape3A_142, %get3A_193, %dot_general3A_194 {dimension_numbers = #tpu.dot_dimension_numbers<[1], [0], [0], [1], [0, 0, 1, 1], [], []>, transpose_lhs_hint = false} : vector<4096x64xbf16>, vector<64x64xbf16>, vector<4096x64xf32> -> vector<4096x64xf32>
    %add3A_196 = arith.addf %add3A_133, %dot_general3A_195 : vector<4096x64xf32>
    %add3A_197 = arith.constant 1 : i32
    %add3A_198 = arith.addi %mul3A_0, %add3A_197 : i32
    %get3A_199 = arith.constant 0 : index
    %get3A_200 = arith.index_cast %add3A_198 : i32 to index
    %get3A_201 = arith.constant 0 : index
    %get3A_202 = arith.constant 0 : index
    %get3A_203 = vector.load %arg2[%get3A_199, %get3A_200, %get3A_201, %get3A_202] : memref<1x130x130x64xbf16, #tpu.memory_space<vmem>>, vector<1x32x128x64xbf16>
    %get3A_204 = vector.shape_cast %get3A_203 : vector<1x32x128x64xbf16> to vector<32x128x64xbf16>
    %reshape3A_205 = vector.shape_cast %get3A_204 : vector<32x128x64xbf16> to vector<4096x64xbf16>
    %get3A_206 = arith.constant 0 : index
    %get3A_207 = arith.constant 3 : index
    %get3A_208 = arith.constant 0 : index
    %get3A_209 = arith.constant 0 : index
    %get3A_210 = vector.load %arg3[%get3A_206, %get3A_207, %get3A_208, %get3A_209] : memref<6x9x64x64xbf16, #tpu.memory_space<vmem>>, vector<1x1x64x64xbf16>
    %get3A_211 = vector.shape_cast %get3A_210 : vector<1x1x64x64xbf16> to vector<64x64xbf16>
    %dot_general3A_212 = arith.constant dense<0.000000e+00> : vector<4096x64xf32>
    %dot_general3A_213 = tpu.matmul %reshape3A_205, %get3A_211, %dot_general3A_212 {dimension_numbers = #tpu.dot_dimension_numbers<[1], [0], [0], [1], [0, 0, 1, 1], [], []>, transpose_lhs_hint = false} : vector<4096x64xbf16>, vector<64x64xbf16>, vector<4096x64xf32> -> vector<4096x64xf32>
    %add3A_214 = arith.addf %add3A_151, %dot_general3A_213 : vector<4096x64xf32>
    %get3A_215 = arith.constant 1 : index
    %get3A_216 = arith.constant 3 : index
    %get3A_217 = arith.constant 0 : index
    %get3A_218 = arith.constant 0 : index
    %get3A_219 = vector.load %arg3[%get3A_215, %get3A_216, %get3A_217, %get3A_218] : memref<6x9x64x64xbf16, #tpu.memory_space<vmem>>, vector<1x1x64x64xbf16>
    %get3A_220 = vector.shape_cast %get3A_219 : vector<1x1x64x64xbf16> to vector<64x64xbf16>
    %dot_general3A_221 = arith.constant dense<0.000000e+00> : vector<4096x64xf32>
    %dot_general3A_222 = tpu.matmul %reshape3A_205, %get3A_220, %dot_general3A_221 {dimension_numbers = #tpu.dot_dimension_numbers<[1], [0], [0], [1], [0, 0, 1, 1], [], []>, transpose_lhs_hint = false} : vector<4096x64xbf16>, vector<64x64xbf16>, vector<4096x64xf32> -> vector<4096x64xf32>
    %add3A_223 = arith.addf %add3A_160, %dot_general3A_222 : vector<4096x64xf32>
    %get3A_224 = arith.constant 2 : index
    %get3A_225 = arith.constant 3 : index
    %get3A_226 = arith.constant 0 : index
    %get3A_227 = arith.constant 0 : index
    %get3A_228 = vector.load %arg3[%get3A_224, %get3A_225, %get3A_226, %get3A_227] : memref<6x9x64x64xbf16, #tpu.memory_space<vmem>>, vector<1x1x64x64xbf16>
    %get3A_229 = vector.shape_cast %get3A_228 : vector<1x1x64x64xbf16> to vector<64x64xbf16>
    %dot_general3A_230 = arith.constant dense<0.000000e+00> : vector<4096x64xf32>
    %dot_general3A_231 = tpu.matmul %reshape3A_205, %get3A_229, %dot_general3A_230 {dimension_numbers = #tpu.dot_dimension_numbers<[1], [0], [0], [1], [0, 0, 1, 1], [], []>, transpose_lhs_hint = false} : vector<4096x64xbf16>, vector<64x64xbf16>, vector<4096x64xf32> -> vector<4096x64xf32>
    %add3A_232 = arith.addf %add3A_169, %dot_general3A_231 : vector<4096x64xf32>
    %get3A_233 = arith.constant 3 : index
    %get3A_234 = arith.constant 3 : index
    %get3A_235 = arith.constant 0 : index
    %get3A_236 = arith.constant 0 : index
    %get3A_237 = vector.load %arg3[%get3A_233, %get3A_234, %get3A_235, %get3A_236] : memref<6x9x64x64xbf16, #tpu.memory_space<vmem>>, vector<1x1x64x64xbf16>
    %get3A_238 = vector.shape_cast %get3A_237 : vector<1x1x64x64xbf16> to vector<64x64xbf16>
    %dot_general3A_239 = arith.constant dense<0.000000e+00> : vector<4096x64xf32>
    %dot_general3A_240 = tpu.matmul %reshape3A_205, %get3A_238, %dot_general3A_239 {dimension_numbers = #tpu.dot_dimension_numbers<[1], [0], [0], [1], [0, 0, 1, 1], [], []>, transpose_lhs_hint = false} : vector<4096x64xbf16>, vector<64x64xbf16>, vector<4096x64xf32> -> vector<4096x64xf32>
    %add3A_241 = arith.addf %add3A_178, %dot_general3A_240 : vector<4096x64xf32>
    %get3A_242 = arith.constant 4 : index
    %get3A_243 = arith.constant 3 : index
    %get3A_244 = arith.constant 0 : index
    %get3A_245 = arith.constant 0 : index
    %get3A_246 = vector.load %arg3[%get3A_242, %get3A_243, %get3A_244, %get3A_245] : memref<6x9x64x64xbf16, #tpu.memory_space<vmem>>, vector<1x1x64x64xbf16>
    %get3A_247 = vector.shape_cast %get3A_246 : vector<1x1x64x64xbf16> to vector<64x64xbf16>
    %dot_general3A_248 = arith.constant dense<0.000000e+00> : vector<4096x64xf32>
    %dot_general3A_249 = tpu.matmul %reshape3A_205, %get3A_247, %dot_general3A_248 {dimension_numbers = #tpu.dot_dimension_numbers<[1], [0], [0], [1], [0, 0, 1, 1], [], []>, transpose_lhs_hint = false} : vector<4096x64xbf16>, vector<64x64xbf16>, vector<4096x64xf32> -> vector<4096x64xf32>
    %add3A_250 = arith.addf %add3A_187, %dot_general3A_249 : vector<4096x64xf32>
    %get3A_251 = arith.constant 5 : index
    %get3A_252 = arith.constant 3 : index
    %get3A_253 = arith.constant 0 : index
    %get3A_254 = arith.constant 0 : index
    %get3A_255 = vector.load %arg3[%get3A_251, %get3A_252, %get3A_253, %get3A_254] : memref<6x9x64x64xbf16, #tpu.memory_space<vmem>>, vector<1x1x64x64xbf16>
    %get3A_256 = vector.shape_cast %get3A_255 : vector<1x1x64x64xbf16> to vector<64x64xbf16>
    %dot_general3A_257 = arith.constant dense<0.000000e+00> : vector<4096x64xf32>
    %dot_general3A_258 = tpu.matmul %reshape3A_205, %get3A_256, %dot_general3A_257 {dimension_numbers = #tpu.dot_dimension_numbers<[1], [0], [0], [1], [0, 0, 1, 1], [], []>, transpose_lhs_hint = false} : vector<4096x64xbf16>, vector<64x64xbf16>, vector<4096x64xf32> -> vector<4096x64xf32>
    %add3A_259 = arith.addf %add3A_196, %dot_general3A_258 : vector<4096x64xf32>
    %add3A_260 = arith.constant 1 : i32
    %add3A_261 = arith.addi %mul3A_0, %add3A_260 : i32
    %get3A_262 = arith.constant 0 : index
    %get3A_263 = arith.index_cast %add3A_261 : i32 to index
    %get3A_264 = arith.constant 1 : index
    %get3A_265 = arith.constant 0 : index
    %get3A_266 = vector.load %arg2[%get3A_262, %get3A_263, %get3A_264, %get3A_265] : memref<1x130x130x64xbf16, #tpu.memory_space<vmem>>, vector<1x32x128x64xbf16>
    %get3A_267 = vector.shape_cast %get3A_266 : vector<1x32x128x64xbf16> to vector<32x128x64xbf16>
    %reshape3A_268 = vector.shape_cast %get3A_267 : vector<32x128x64xbf16> to vector<4096x64xbf16>
    %get3A_269 = arith.constant 0 : index
    %get3A_270 = arith.constant 4 : index
    %get3A_271 = arith.constant 0 : index
    %get3A_272 = arith.constant 0 : index
    %get3A_273 = vector.load %arg3[%get3A_269, %get3A_270, %get3A_271, %get3A_272] : memref<6x9x64x64xbf16, #tpu.memory_space<vmem>>, vector<1x1x64x64xbf16>
    %get3A_274 = vector.shape_cast %get3A_273 : vector<1x1x64x64xbf16> to vector<64x64xbf16>
    %dot_general3A_275 = arith.constant dense<0.000000e+00> : vector<4096x64xf32>
    %dot_general3A_276 = tpu.matmul %reshape3A_268, %get3A_274, %dot_general3A_275 {dimension_numbers = #tpu.dot_dimension_numbers<[1], [0], [0], [1], [0, 0, 1, 1], [], []>, transpose_lhs_hint = false} : vector<4096x64xbf16>, vector<64x64xbf16>, vector<4096x64xf32> -> vector<4096x64xf32>
    %add3A_277 = arith.addf %add3A_214, %dot_general3A_276 : vector<4096x64xf32>
    %get3A_278 = arith.constant 1 : index
    %get3A_279 = arith.constant 4 : index
    %get3A_280 = arith.constant 0 : index
    %get3A_281 = arith.constant 0 : index
    %get3A_282 = vector.load %arg3[%get3A_278, %get3A_279, %get3A_280, %get3A_281] : memref<6x9x64x64xbf16, #tpu.memory_space<vmem>>, vector<1x1x64x64xbf16>
    %get3A_283 = vector.shape_cast %get3A_282 : vector<1x1x64x64xbf16> to vector<64x64xbf16>
    %dot_general3A_284 = arith.constant dense<0.000000e+00> : vector<4096x64xf32>
    %dot_general3A_285 = tpu.matmul %reshape3A_268, %get3A_283, %dot_general3A_284 {dimension_numbers = #tpu.dot_dimension_numbers<[1], [0], [0], [1], [0, 0, 1, 1], [], []>, transpose_lhs_hint = false} : vector<4096x64xbf16>, vector<64x64xbf16>, vector<4096x64xf32> -> vector<4096x64xf32>
    %add3A_286 = arith.addf %add3A_223, %dot_general3A_285 : vector<4096x64xf32>
    %get3A_287 = arith.constant 2 : index
    %get3A_288 = arith.constant 4 : index
    %get3A_289 = arith.constant 0 : index
    %get3A_290 = arith.constant 0 : index
    %get3A_291 = vector.load %arg3[%get3A_287, %get3A_288, %get3A_289, %get3A_290] : memref<6x9x64x64xbf16, #tpu.memory_space<vmem>>, vector<1x1x64x64xbf16>
    %get3A_292 = vector.shape_cast %get3A_291 : vector<1x1x64x64xbf16> to vector<64x64xbf16>
    %dot_general3A_293 = arith.constant dense<0.000000e+00> : vector<4096x64xf32>
    %dot_general3A_294 = tpu.matmul %reshape3A_268, %get3A_292, %dot_general3A_293 {dimension_numbers = #tpu.dot_dimension_numbers<[1], [0], [0], [1], [0, 0, 1, 1], [], []>, transpose_lhs_hint = false} : vector<4096x64xbf16>, vector<64x64xbf16>, vector<4096x64xf32> -> vector<4096x64xf32>
    %add3A_295 = arith.addf %add3A_232, %dot_general3A_294 : vector<4096x64xf32>
    %get3A_296 = arith.constant 3 : index
    %get3A_297 = arith.constant 4 : index
    %get3A_298 = arith.constant 0 : index
    %get3A_299 = arith.constant 0 : index
    %get3A_300 = vector.load %arg3[%get3A_296, %get3A_297, %get3A_298, %get3A_299] : memref<6x9x64x64xbf16, #tpu.memory_space<vmem>>, vector<1x1x64x64xbf16>
    %get3A_301 = vector.shape_cast %get3A_300 : vector<1x1x64x64xbf16> to vector<64x64xbf16>
    %dot_general3A_302 = arith.constant dense<0.000000e+00> : vector<4096x64xf32>
    %dot_general3A_303 = tpu.matmul %reshape3A_268, %get3A_301, %dot_general3A_302 {dimension_numbers = #tpu.dot_dimension_numbers<[1], [0], [0], [1], [0, 0, 1, 1], [], []>, transpose_lhs_hint = false} : vector<4096x64xbf16>, vector<64x64xbf16>, vector<4096x64xf32> -> vector<4096x64xf32>
    %add3A_304 = arith.addf %add3A_241, %dot_general3A_303 : vector<4096x64xf32>
    %get3A_305 = arith.constant 4 : index
    %get3A_306 = arith.constant 4 : index
    %get3A_307 = arith.constant 0 : index
    %get3A_308 = arith.constant 0 : index
    %get3A_309 = vector.load %arg3[%get3A_305, %get3A_306, %get3A_307, %get3A_308] : memref<6x9x64x64xbf16, #tpu.memory_space<vmem>>, vector<1x1x64x64xbf16>
    %get3A_310 = vector.shape_cast %get3A_309 : vector<1x1x64x64xbf16> to vector<64x64xbf16>
    %dot_general3A_311 = arith.constant dense<0.000000e+00> : vector<4096x64xf32>
    %dot_general3A_312 = tpu.matmul %reshape3A_268, %get3A_310, %dot_general3A_311 {dimension_numbers = #tpu.dot_dimension_numbers<[1], [0], [0], [1], [0, 0, 1, 1], [], []>, transpose_lhs_hint = false} : vector<4096x64xbf16>, vector<64x64xbf16>, vector<4096x64xf32> -> vector<4096x64xf32>
    %add3A_313 = arith.addf %add3A_250, %dot_general3A_312 : vector<4096x64xf32>
    %get3A_314 = arith.constant 5 : index
    %get3A_315 = arith.constant 4 : index
    %get3A_316 = arith.constant 0 : index
    %get3A_317 = arith.constant 0 : index
    %get3A_318 = vector.load %arg3[%get3A_314, %get3A_315, %get3A_316, %get3A_317] : memref<6x9x64x64xbf16, #tpu.memory_space<vmem>>, vector<1x1x64x64xbf16>
    %get3A_319 = vector.shape_cast %get3A_318 : vector<1x1x64x64xbf16> to vector<64x64xbf16>
    %dot_general3A_320 = arith.constant dense<0.000000e+00> : vector<4096x64xf32>
    %dot_general3A_321 = tpu.matmul %reshape3A_268, %get3A_319, %dot_general3A_320 {dimension_numbers = #tpu.dot_dimension_numbers<[1], [0], [0], [1], [0, 0, 1, 1], [], []>, transpose_lhs_hint = false} : vector<4096x64xbf16>, vector<64x64xbf16>, vector<4096x64xf32> -> vector<4096x64xf32>
    %add3A_322 = arith.addf %add3A_259, %dot_general3A_321 : vector<4096x64xf32>
    %add3A_323 = arith.constant 1 : i32
    %add3A_324 = arith.addi %mul3A_0, %add3A_323 : i32
    %get3A_325 = arith.constant 0 : index
    %get3A_326 = arith.index_cast %add3A_324 : i32 to index
    %get3A_327 = arith.constant 2 : index
    %get3A_328 = arith.constant 0 : index
    %get3A_329 = vector.load %arg2[%get3A_325, %get3A_326, %get3A_327, %get3A_328] : memref<1x130x130x64xbf16, #tpu.memory_space<vmem>>, vector<1x32x128x64xbf16>
    %get3A_330 = vector.shape_cast %get3A_329 : vector<1x32x128x64xbf16> to vector<32x128x64xbf16>
    %reshape3A_331 = vector.shape_cast %get3A_330 : vector<32x128x64xbf16> to vector<4096x64xbf16>
    %get3A_332 = arith.constant 0 : index
    %get3A_333 = arith.constant 5 : index
    %get3A_334 = arith.constant 0 : index
    %get3A_335 = arith.constant 0 : index
    %get3A_336 = vector.load %arg3[%get3A_332, %get3A_333, %get3A_334, %get3A_335] : memref<6x9x64x64xbf16, #tpu.memory_space<vmem>>, vector<1x1x64x64xbf16>
    %get3A_337 = vector.shape_cast %get3A_336 : vector<1x1x64x64xbf16> to vector<64x64xbf16>
    %dot_general3A_338 = arith.constant dense<0.000000e+00> : vector<4096x64xf32>
    %dot_general3A_339 = tpu.matmul %reshape3A_331, %get3A_337, %dot_general3A_338 {dimension_numbers = #tpu.dot_dimension_numbers<[1], [0], [0], [1], [0, 0, 1, 1], [], []>, transpose_lhs_hint = false} : vector<4096x64xbf16>, vector<64x64xbf16>, vector<4096x64xf32> -> vector<4096x64xf32>
    %add3A_340 = arith.addf %add3A_277, %dot_general3A_339 : vector<4096x64xf32>
    %get3A_341 = arith.constant 1 : index
    %get3A_342 = arith.constant 5 : index
    %get3A_343 = arith.constant 0 : index
    %get3A_344 = arith.constant 0 : index
    %get3A_345 = vector.load %arg3[%get3A_341, %get3A_342, %get3A_343, %get3A_344] : memref<6x9x64x64xbf16, #tpu.memory_space<vmem>>, vector<1x1x64x64xbf16>
    %get3A_346 = vector.shape_cast %get3A_345 : vector<1x1x64x64xbf16> to vector<64x64xbf16>
    %dot_general3A_347 = arith.constant dense<0.000000e+00> : vector<4096x64xf32>
    %dot_general3A_348 = tpu.matmul %reshape3A_331, %get3A_346, %dot_general3A_347 {dimension_numbers = #tpu.dot_dimension_numbers<[1], [0], [0], [1], [0, 0, 1, 1], [], []>, transpose_lhs_hint = false} : vector<4096x64xbf16>, vector<64x64xbf16>, vector<4096x64xf32> -> vector<4096x64xf32>
    %add3A_349 = arith.addf %add3A_286, %dot_general3A_348 : vector<4096x64xf32>
    %get3A_350 = arith.constant 2 : index
    %get3A_351 = arith.constant 5 : index
    %get3A_352 = arith.constant 0 : index
    %get3A_353 = arith.constant 0 : index
    %get3A_354 = vector.load %arg3[%get3A_350, %get3A_351, %get3A_352, %get3A_353] : memref<6x9x64x64xbf16, #tpu.memory_space<vmem>>, vector<1x1x64x64xbf16>
    %get3A_355 = vector.shape_cast %get3A_354 : vector<1x1x64x64xbf16> to vector<64x64xbf16>
    %dot_general3A_356 = arith.constant dense<0.000000e+00> : vector<4096x64xf32>
    %dot_general3A_357 = tpu.matmul %reshape3A_331, %get3A_355, %dot_general3A_356 {dimension_numbers = #tpu.dot_dimension_numbers<[1], [0], [0], [1], [0, 0, 1, 1], [], []>, transpose_lhs_hint = false} : vector<4096x64xbf16>, vector<64x64xbf16>, vector<4096x64xf32> -> vector<4096x64xf32>
    %add3A_358 = arith.addf %add3A_295, %dot_general3A_357 : vector<4096x64xf32>
    %get3A_359 = arith.constant 3 : index
    %get3A_360 = arith.constant 5 : index
    %get3A_361 = arith.constant 0 : index
    %get3A_362 = arith.constant 0 : index
    %get3A_363 = vector.load %arg3[%get3A_359, %get3A_360, %get3A_361, %get3A_362] : memref<6x9x64x64xbf16, #tpu.memory_space<vmem>>, vector<1x1x64x64xbf16>
    %get3A_364 = vector.shape_cast %get3A_363 : vector<1x1x64x64xbf16> to vector<64x64xbf16>
    %dot_general3A_365 = arith.constant dense<0.000000e+00> : vector<4096x64xf32>
    %dot_general3A_366 = tpu.matmul %reshape3A_331, %get3A_364, %dot_general3A_365 {dimension_numbers = #tpu.dot_dimension_numbers<[1], [0], [0], [1], [0, 0, 1, 1], [], []>, transpose_lhs_hint = false} : vector<4096x64xbf16>, vector<64x64xbf16>, vector<4096x64xf32> -> vector<4096x64xf32>
    %add3A_367 = arith.addf %add3A_304, %dot_general3A_366 : vector<4096x64xf32>
    %get3A_368 = arith.constant 4 : index
    %get3A_369 = arith.constant 5 : index
    %get3A_370 = arith.constant 0 : index
    %get3A_371 = arith.constant 0 : index
    %get3A_372 = vector.load %arg3[%get3A_368, %get3A_369, %get3A_370, %get3A_371] : memref<6x9x64x64xbf16, #tpu.memory_space<vmem>>, vector<1x1x64x64xbf16>
    %get3A_373 = vector.shape_cast %get3A_372 : vector<1x1x64x64xbf16> to vector<64x64xbf16>
    %dot_general3A_374 = arith.constant dense<0.000000e+00> : vector<4096x64xf32>
    %dot_general3A_375 = tpu.matmul %reshape3A_331, %get3A_373, %dot_general3A_374 {dimension_numbers = #tpu.dot_dimension_numbers<[1], [0], [0], [1], [0, 0, 1, 1], [], []>, transpose_lhs_hint = false} : vector<4096x64xbf16>, vector<64x64xbf16>, vector<4096x64xf32> -> vector<4096x64xf32>
    %add3A_376 = arith.addf %add3A_313, %dot_general3A_375 : vector<4096x64xf32>
    %get3A_377 = arith.constant 5 : index
    %get3A_378 = arith.constant 5 : index
    %get3A_379 = arith.constant 0 : index
    %get3A_380 = arith.constant 0 : index
    %get3A_381 = vector.load %arg3[%get3A_377, %get3A_378, %get3A_379, %get3A_380] : memref<6x9x64x64xbf16, #tpu.memory_space<vmem>>, vector<1x1x64x64xbf16>
    %get3A_382 = vector.shape_cast %get3A_381 : vector<1x1x64x64xbf16> to vector<64x64xbf16>
    %dot_general3A_383 = arith.constant dense<0.000000e+00> : vector<4096x64xf32>
    %dot_general3A_384 = tpu.matmul %reshape3A_331, %get3A_382, %dot_general3A_383 {dimension_numbers = #tpu.dot_dimension_numbers<[1], [0], [0], [1], [0, 0, 1, 1], [], []>, transpose_lhs_hint = false} : vector<4096x64xbf16>, vector<64x64xbf16>, vector<4096x64xf32> -> vector<4096x64xf32>
    %add3A_385 = arith.addf %add3A_322, %dot_general3A_384 : vector<4096x64xf32>
    %add3A_386 = arith.constant 2 : i32
    %add3A_387 = arith.addi %mul3A_0, %add3A_386 : i32
    %get3A_388 = arith.constant 0 : index
    %get3A_389 = arith.index_cast %add3A_387 : i32 to index
    %get3A_390 = arith.constant 0 : index
    %get3A_391 = arith.constant 0 : index
    %get3A_392 = vector.load %arg2[%get3A_388, %get3A_389, %get3A_390, %get3A_391] : memref<1x130x130x64xbf16, #tpu.memory_space<vmem>>, vector<1x32x128x64xbf16>
    %get3A_393 = vector.shape_cast %get3A_392 : vector<1x32x128x64xbf16> to vector<32x128x64xbf16>
    %reshape3A_394 = vector.shape_cast %get3A_393 : vector<32x128x64xbf16> to vector<4096x64xbf16>
    %get3A_395 = arith.constant 0 : index
    %get3A_396 = arith.constant 6 : index
    %get3A_397 = arith.constant 0 : index
    %get3A_398 = arith.constant 0 : index
    %get3A_399 = vector.load %arg3[%get3A_395, %get3A_396, %get3A_397, %get3A_398] : memref<6x9x64x64xbf16, #tpu.memory_space<vmem>>, vector<1x1x64x64xbf16>
    %get3A_400 = vector.shape_cast %get3A_399 : vector<1x1x64x64xbf16> to vector<64x64xbf16>
    %dot_general3A_401 = arith.constant dense<0.000000e+00> : vector<4096x64xf32>
    %dot_general3A_402 = tpu.matmul %reshape3A_394, %get3A_400, %dot_general3A_401 {dimension_numbers = #tpu.dot_dimension_numbers<[1], [0], [0], [1], [0, 0, 1, 1], [], []>, transpose_lhs_hint = false} : vector<4096x64xbf16>, vector<64x64xbf16>, vector<4096x64xf32> -> vector<4096x64xf32>
    %add3A_403 = arith.addf %add3A_340, %dot_general3A_402 : vector<4096x64xf32>
    %get3A_404 = arith.constant 1 : index
    %get3A_405 = arith.constant 6 : index
    %get3A_406 = arith.constant 0 : index
    %get3A_407 = arith.constant 0 : index
    %get3A_408 = vector.load %arg3[%get3A_404, %get3A_405, %get3A_406, %get3A_407] : memref<6x9x64x64xbf16, #tpu.memory_space<vmem>>, vector<1x1x64x64xbf16>
    %get3A_409 = vector.shape_cast %get3A_408 : vector<1x1x64x64xbf16> to vector<64x64xbf16>
    %dot_general3A_410 = arith.constant dense<0.000000e+00> : vector<4096x64xf32>
    %dot_general3A_411 = tpu.matmul %reshape3A_394, %get3A_409, %dot_general3A_410 {dimension_numbers = #tpu.dot_dimension_numbers<[1], [0], [0], [1], [0, 0, 1, 1], [], []>, transpose_lhs_hint = false} : vector<4096x64xbf16>, vector<64x64xbf16>, vector<4096x64xf32> -> vector<4096x64xf32>
    %add3A_412 = arith.addf %add3A_349, %dot_general3A_411 : vector<4096x64xf32>
    %get3A_413 = arith.constant 2 : index
    %get3A_414 = arith.constant 6 : index
    %get3A_415 = arith.constant 0 : index
    %get3A_416 = arith.constant 0 : index
    %get3A_417 = vector.load %arg3[%get3A_413, %get3A_414, %get3A_415, %get3A_416] : memref<6x9x64x64xbf16, #tpu.memory_space<vmem>>, vector<1x1x64x64xbf16>
    %get3A_418 = vector.shape_cast %get3A_417 : vector<1x1x64x64xbf16> to vector<64x64xbf16>
    %dot_general3A_419 = arith.constant dense<0.000000e+00> : vector<4096x64xf32>
    %dot_general3A_420 = tpu.matmul %reshape3A_394, %get3A_418, %dot_general3A_419 {dimension_numbers = #tpu.dot_dimension_numbers<[1], [0], [0], [1], [0, 0, 1, 1], [], []>, transpose_lhs_hint = false} : vector<4096x64xbf16>, vector<64x64xbf16>, vector<4096x64xf32> -> vector<4096x64xf32>
    %add3A_421 = arith.addf %add3A_358, %dot_general3A_420 : vector<4096x64xf32>
    %get3A_422 = arith.constant 3 : index
    %get3A_423 = arith.constant 6 : index
    %get3A_424 = arith.constant 0 : index
    %get3A_425 = arith.constant 0 : index
    %get3A_426 = vector.load %arg3[%get3A_422, %get3A_423, %get3A_424, %get3A_425] : memref<6x9x64x64xbf16, #tpu.memory_space<vmem>>, vector<1x1x64x64xbf16>
    %get3A_427 = vector.shape_cast %get3A_426 : vector<1x1x64x64xbf16> to vector<64x64xbf16>
    %dot_general3A_428 = arith.constant dense<0.000000e+00> : vector<4096x64xf32>
    %dot_general3A_429 = tpu.matmul %reshape3A_394, %get3A_427, %dot_general3A_428 {dimension_numbers = #tpu.dot_dimension_numbers<[1], [0], [0], [1], [0, 0, 1, 1], [], []>, transpose_lhs_hint = false} : vector<4096x64xbf16>, vector<64x64xbf16>, vector<4096x64xf32> -> vector<4096x64xf32>
    %add3A_430 = arith.addf %add3A_367, %dot_general3A_429 : vector<4096x64xf32>
    %get3A_431 = arith.constant 4 : index
    %get3A_432 = arith.constant 6 : index
    %get3A_433 = arith.constant 0 : index
    %get3A_434 = arith.constant 0 : index
    %get3A_435 = vector.load %arg3[%get3A_431, %get3A_432, %get3A_433, %get3A_434] : memref<6x9x64x64xbf16, #tpu.memory_space<vmem>>, vector<1x1x64x64xbf16>
    %get3A_436 = vector.shape_cast %get3A_435 : vector<1x1x64x64xbf16> to vector<64x64xbf16>
    %dot_general3A_437 = arith.constant dense<0.000000e+00> : vector<4096x64xf32>
    %dot_general3A_438 = tpu.matmul %reshape3A_394, %get3A_436, %dot_general3A_437 {dimension_numbers = #tpu.dot_dimension_numbers<[1], [0], [0], [1], [0, 0, 1, 1], [], []>, transpose_lhs_hint = false} : vector<4096x64xbf16>, vector<64x64xbf16>, vector<4096x64xf32> -> vector<4096x64xf32>
    %add3A_439 = arith.addf %add3A_376, %dot_general3A_438 : vector<4096x64xf32>
    %get3A_440 = arith.constant 5 : index
    %get3A_441 = arith.constant 6 : index
    %get3A_442 = arith.constant 0 : index
    %get3A_443 = arith.constant 0 : index
    %get3A_444 = vector.load %arg3[%get3A_440, %get3A_441, %get3A_442, %get3A_443] : memref<6x9x64x64xbf16, #tpu.memory_space<vmem>>, vector<1x1x64x64xbf16>
    %get3A_445 = vector.shape_cast %get3A_444 : vector<1x1x64x64xbf16> to vector<64x64xbf16>
    %dot_general3A_446 = arith.constant dense<0.000000e+00> : vector<4096x64xf32>
    %dot_general3A_447 = tpu.matmul %reshape3A_394, %get3A_445, %dot_general3A_446 {dimension_numbers = #tpu.dot_dimension_numbers<[1], [0], [0], [1], [0, 0, 1, 1], [], []>, transpose_lhs_hint = false} : vector<4096x64xbf16>, vector<64x64xbf16>, vector<4096x64xf32> -> vector<4096x64xf32>
    %add3A_448 = arith.addf %add3A_385, %dot_general3A_447 : vector<4096x64xf32>
    %add3A_449 = arith.constant 2 : i32
    %add3A_450 = arith.addi %mul3A_0, %add3A_449 : i32
    %get3A_451 = arith.constant 0 : index
    %get3A_452 = arith.index_cast %add3A_450 : i32 to index
    %get3A_453 = arith.constant 1 : index
    %get3A_454 = arith.constant 0 : index
    %get3A_455 = vector.load %arg2[%get3A_451, %get3A_452, %get3A_453, %get3A_454] : memref<1x130x130x64xbf16, #tpu.memory_space<vmem>>, vector<1x32x128x64xbf16>
    %get3A_456 = vector.shape_cast %get3A_455 : vector<1x32x128x64xbf16> to vector<32x128x64xbf16>
    %reshape3A_457 = vector.shape_cast %get3A_456 : vector<32x128x64xbf16> to vector<4096x64xbf16>
    %get3A_458 = arith.constant 0 : index
    %get3A_459 = arith.constant 7 : index
    %get3A_460 = arith.constant 0 : index
    %get3A_461 = arith.constant 0 : index
    %get3A_462 = vector.load %arg3[%get3A_458, %get3A_459, %get3A_460, %get3A_461] : memref<6x9x64x64xbf16, #tpu.memory_space<vmem>>, vector<1x1x64x64xbf16>
    %get3A_463 = vector.shape_cast %get3A_462 : vector<1x1x64x64xbf16> to vector<64x64xbf16>
    %dot_general3A_464 = arith.constant dense<0.000000e+00> : vector<4096x64xf32>
    %dot_general3A_465 = tpu.matmul %reshape3A_457, %get3A_463, %dot_general3A_464 {dimension_numbers = #tpu.dot_dimension_numbers<[1], [0], [0], [1], [0, 0, 1, 1], [], []>, transpose_lhs_hint = false} : vector<4096x64xbf16>, vector<64x64xbf16>, vector<4096x64xf32> -> vector<4096x64xf32>
    %add3A_466 = arith.addf %add3A_403, %dot_general3A_465 : vector<4096x64xf32>
    %get3A_467 = arith.constant 1 : index
    %get3A_468 = arith.constant 7 : index
    %get3A_469 = arith.constant 0 : index
    %get3A_470 = arith.constant 0 : index
    %get3A_471 = vector.load %arg3[%get3A_467, %get3A_468, %get3A_469, %get3A_470] : memref<6x9x64x64xbf16, #tpu.memory_space<vmem>>, vector<1x1x64x64xbf16>
    %get3A_472 = vector.shape_cast %get3A_471 : vector<1x1x64x64xbf16> to vector<64x64xbf16>
    %dot_general3A_473 = arith.constant dense<0.000000e+00> : vector<4096x64xf32>
    %dot_general3A_474 = tpu.matmul %reshape3A_457, %get3A_472, %dot_general3A_473 {dimension_numbers = #tpu.dot_dimension_numbers<[1], [0], [0], [1], [0, 0, 1, 1], [], []>, transpose_lhs_hint = false} : vector<4096x64xbf16>, vector<64x64xbf16>, vector<4096x64xf32> -> vector<4096x64xf32>
    %add3A_475 = arith.addf %add3A_412, %dot_general3A_474 : vector<4096x64xf32>
    %get3A_476 = arith.constant 2 : index
    %get3A_477 = arith.constant 7 : index
    %get3A_478 = arith.constant 0 : index
    %get3A_479 = arith.constant 0 : index
    %get3A_480 = vector.load %arg3[%get3A_476, %get3A_477, %get3A_478, %get3A_479] : memref<6x9x64x64xbf16, #tpu.memory_space<vmem>>, vector<1x1x64x64xbf16>
    %get3A_481 = vector.shape_cast %get3A_480 : vector<1x1x64x64xbf16> to vector<64x64xbf16>
    %dot_general3A_482 = arith.constant dense<0.000000e+00> : vector<4096x64xf32>
    %dot_general3A_483 = tpu.matmul %reshape3A_457, %get3A_481, %dot_general3A_482 {dimension_numbers = #tpu.dot_dimension_numbers<[1], [0], [0], [1], [0, 0, 1, 1], [], []>, transpose_lhs_hint = false} : vector<4096x64xbf16>, vector<64x64xbf16>, vector<4096x64xf32> -> vector<4096x64xf32>
    %add3A_484 = arith.addf %add3A_421, %dot_general3A_483 : vector<4096x64xf32>
    %get3A_485 = arith.constant 3 : index
    %get3A_486 = arith.constant 7 : index
    %get3A_487 = arith.constant 0 : index
    %get3A_488 = arith.constant 0 : index
    %get3A_489 = vector.load %arg3[%get3A_485, %get3A_486, %get3A_487, %get3A_488] : memref<6x9x64x64xbf16, #tpu.memory_space<vmem>>, vector<1x1x64x64xbf16>
    %get3A_490 = vector.shape_cast %get3A_489 : vector<1x1x64x64xbf16> to vector<64x64xbf16>
    %dot_general3A_491 = arith.constant dense<0.000000e+00> : vector<4096x64xf32>
    %dot_general3A_492 = tpu.matmul %reshape3A_457, %get3A_490, %dot_general3A_491 {dimension_numbers = #tpu.dot_dimension_numbers<[1], [0], [0], [1], [0, 0, 1, 1], [], []>, transpose_lhs_hint = false} : vector<4096x64xbf16>, vector<64x64xbf16>, vector<4096x64xf32> -> vector<4096x64xf32>
    %add3A_493 = arith.addf %add3A_430, %dot_general3A_492 : vector<4096x64xf32>
    %get3A_494 = arith.constant 4 : index
    %get3A_495 = arith.constant 7 : index
    %get3A_496 = arith.constant 0 : index
    %get3A_497 = arith.constant 0 : index
    %get3A_498 = vector.load %arg3[%get3A_494, %get3A_495, %get3A_496, %get3A_497] : memref<6x9x64x64xbf16, #tpu.memory_space<vmem>>, vector<1x1x64x64xbf16>
    %get3A_499 = vector.shape_cast %get3A_498 : vector<1x1x64x64xbf16> to vector<64x64xbf16>
    %dot_general3A_500 = arith.constant dense<0.000000e+00> : vector<4096x64xf32>
    %dot_general3A_501 = tpu.matmul %reshape3A_457, %get3A_499, %dot_general3A_500 {dimension_numbers = #tpu.dot_dimension_numbers<[1], [0], [0], [1], [0, 0, 1, 1], [], []>, transpose_lhs_hint = false} : vector<4096x64xbf16>, vector<64x64xbf16>, vector<4096x64xf32> -> vector<4096x64xf32>
    %add3A_502 = arith.addf %add3A_439, %dot_general3A_501 : vector<4096x64xf32>
    %get3A_503 = arith.constant 5 : index
    %get3A_504 = arith.constant 7 : index
    %get3A_505 = arith.constant 0 : index
    %get3A_506 = arith.constant 0 : index
    %get3A_507 = vector.load %arg3[%get3A_503, %get3A_504, %get3A_505, %get3A_506] : memref<6x9x64x64xbf16, #tpu.memory_space<vmem>>, vector<1x1x64x64xbf16>
    %get3A_508 = vector.shape_cast %get3A_507 : vector<1x1x64x64xbf16> to vector<64x64xbf16>
    %dot_general3A_509 = arith.constant dense<0.000000e+00> : vector<4096x64xf32>
    %dot_general3A_510 = tpu.matmul %reshape3A_457, %get3A_508, %dot_general3A_509 {dimension_numbers = #tpu.dot_dimension_numbers<[1], [0], [0], [1], [0, 0, 1, 1], [], []>, transpose_lhs_hint = false} : vector<4096x64xbf16>, vector<64x64xbf16>, vector<4096x64xf32> -> vector<4096x64xf32>
    %add3A_511 = arith.addf %add3A_448, %dot_general3A_510 : vector<4096x64xf32>
    %add3A_512 = arith.constant 2 : i32
    %add3A_513 = arith.addi %mul3A_0, %add3A_512 : i32
    %get3A_514 = arith.constant 0 : index
    %get3A_515 = arith.index_cast %add3A_513 : i32 to index
    %get3A_516 = arith.constant 2 : index
    %get3A_517 = arith.constant 0 : index
    %get3A_518 = vector.load %arg2[%get3A_514, %get3A_515, %get3A_516, %get3A_517] : memref<1x130x130x64xbf16, #tpu.memory_space<vmem>>, vector<1x32x128x64xbf16>
    %get3A_519 = vector.shape_cast %get3A_518 : vector<1x32x128x64xbf16> to vector<32x128x64xbf16>
    %reshape3A_520 = vector.shape_cast %get3A_519 : vector<32x128x64xbf16> to vector<4096x64xbf16>
    %get3A_521 = arith.constant 0 : index
    %get3A_522 = arith.constant 8 : index
    %get3A_523 = arith.constant 0 : index
    %get3A_524 = arith.constant 0 : index
    %get3A_525 = vector.load %arg3[%get3A_521, %get3A_522, %get3A_523, %get3A_524] : memref<6x9x64x64xbf16, #tpu.memory_space<vmem>>, vector<1x1x64x64xbf16>
    %get3A_526 = vector.shape_cast %get3A_525 : vector<1x1x64x64xbf16> to vector<64x64xbf16>
    %dot_general3A_527 = arith.constant dense<0.000000e+00> : vector<4096x64xf32>
    %dot_general3A_528 = tpu.matmul %reshape3A_520, %get3A_526, %dot_general3A_527 {dimension_numbers = #tpu.dot_dimension_numbers<[1], [0], [0], [1], [0, 0, 1, 1], [], []>, transpose_lhs_hint = false} : vector<4096x64xbf16>, vector<64x64xbf16>, vector<4096x64xf32> -> vector<4096x64xf32>
    %add3A_529 = arith.addf %add3A_466, %dot_general3A_528 : vector<4096x64xf32>
    %get3A_530 = arith.constant 1 : index
    %get3A_531 = arith.constant 8 : index
    %get3A_532 = arith.constant 0 : index
    %get3A_533 = arith.constant 0 : index
    %get3A_534 = vector.load %arg3[%get3A_530, %get3A_531, %get3A_532, %get3A_533] : memref<6x9x64x64xbf16, #tpu.memory_space<vmem>>, vector<1x1x64x64xbf16>
    %get3A_535 = vector.shape_cast %get3A_534 : vector<1x1x64x64xbf16> to vector<64x64xbf16>
    %dot_general3A_536 = arith.constant dense<0.000000e+00> : vector<4096x64xf32>
    %dot_general3A_537 = tpu.matmul %reshape3A_520, %get3A_535, %dot_general3A_536 {dimension_numbers = #tpu.dot_dimension_numbers<[1], [0], [0], [1], [0, 0, 1, 1], [], []>, transpose_lhs_hint = false} : vector<4096x64xbf16>, vector<64x64xbf16>, vector<4096x64xf32> -> vector<4096x64xf32>
    %add3A_538 = arith.addf %add3A_475, %dot_general3A_537 : vector<4096x64xf32>
    %get3A_539 = arith.constant 2 : index
    %get3A_540 = arith.constant 8 : index
    %get3A_541 = arith.constant 0 : index
    %get3A_542 = arith.constant 0 : index
    %get3A_543 = vector.load %arg3[%get3A_539, %get3A_540, %get3A_541, %get3A_542] : memref<6x9x64x64xbf16, #tpu.memory_space<vmem>>, vector<1x1x64x64xbf16>
    %get3A_544 = vector.shape_cast %get3A_543 : vector<1x1x64x64xbf16> to vector<64x64xbf16>
    %dot_general3A_545 = arith.constant dense<0.000000e+00> : vector<4096x64xf32>
    %dot_general3A_546 = tpu.matmul %reshape3A_520, %get3A_544, %dot_general3A_545 {dimension_numbers = #tpu.dot_dimension_numbers<[1], [0], [0], [1], [0, 0, 1, 1], [], []>, transpose_lhs_hint = false} : vector<4096x64xbf16>, vector<64x64xbf16>, vector<4096x64xf32> -> vector<4096x64xf32>
    %add3A_547 = arith.addf %add3A_484, %dot_general3A_546 : vector<4096x64xf32>
    %get3A_548 = arith.constant 3 : index
    %get3A_549 = arith.constant 8 : index
    %get3A_550 = arith.constant 0 : index
    %get3A_551 = arith.constant 0 : index
    %get3A_552 = vector.load %arg3[%get3A_548, %get3A_549, %get3A_550, %get3A_551] : memref<6x9x64x64xbf16, #tpu.memory_space<vmem>>, vector<1x1x64x64xbf16>
    %get3A_553 = vector.shape_cast %get3A_552 : vector<1x1x64x64xbf16> to vector<64x64xbf16>
    %dot_general3A_554 = arith.constant dense<0.000000e+00> : vector<4096x64xf32>
    %dot_general3A_555 = tpu.matmul %reshape3A_520, %get3A_553, %dot_general3A_554 {dimension_numbers = #tpu.dot_dimension_numbers<[1], [0], [0], [1], [0, 0, 1, 1], [], []>, transpose_lhs_hint = false} : vector<4096x64xbf16>, vector<64x64xbf16>, vector<4096x64xf32> -> vector<4096x64xf32>
    %add3A_556 = arith.addf %add3A_493, %dot_general3A_555 : vector<4096x64xf32>
    %get3A_557 = arith.constant 4 : index
    %get3A_558 = arith.constant 8 : index
    %get3A_559 = arith.constant 0 : index
    %get3A_560 = arith.constant 0 : index
    %get3A_561 = vector.load %arg3[%get3A_557, %get3A_558, %get3A_559, %get3A_560] : memref<6x9x64x64xbf16, #tpu.memory_space<vmem>>, vector<1x1x64x64xbf16>
    %get3A_562 = vector.shape_cast %get3A_561 : vector<1x1x64x64xbf16> to vector<64x64xbf16>
    %dot_general3A_563 = arith.constant dense<0.000000e+00> : vector<4096x64xf32>
    %dot_general3A_564 = tpu.matmul %reshape3A_520, %get3A_562, %dot_general3A_563 {dimension_numbers = #tpu.dot_dimension_numbers<[1], [0], [0], [1], [0, 0, 1, 1], [], []>, transpose_lhs_hint = false} : vector<4096x64xbf16>, vector<64x64xbf16>, vector<4096x64xf32> -> vector<4096x64xf32>
    %add3A_565 = arith.addf %add3A_502, %dot_general3A_564 : vector<4096x64xf32>
    %get3A_566 = arith.constant 5 : index
    %get3A_567 = arith.constant 8 : index
    %get3A_568 = arith.constant 0 : index
    %get3A_569 = arith.constant 0 : index
    %get3A_570 = vector.load %arg3[%get3A_566, %get3A_567, %get3A_568, %get3A_569] : memref<6x9x64x64xbf16, #tpu.memory_space<vmem>>, vector<1x1x64x64xbf16>
    %get3A_571 = vector.shape_cast %get3A_570 : vector<1x1x64x64xbf16> to vector<64x64xbf16>
    %dot_general3A_572 = arith.constant dense<0.000000e+00> : vector<4096x64xf32>
    %dot_general3A_573 = tpu.matmul %reshape3A_520, %get3A_571, %dot_general3A_572 {dimension_numbers = #tpu.dot_dimension_numbers<[1], [0], [0], [1], [0, 0, 1, 1], [], []>, transpose_lhs_hint = false} : vector<4096x64xbf16>, vector<64x64xbf16>, vector<4096x64xf32> -> vector<4096x64xf32>
    %add3A_574 = arith.addf %add3A_511, %dot_general3A_573 : vector<4096x64xf32>
    %get3A_575 = arith.constant 0 : index
    %get3A_576 = arith.constant 0 : index
    %get3A_577 = arith.constant 0 : index
    %get3A_578 = vector.load %arg4[%get3A_575, %get3A_576, %get3A_577] : memref<6x1x64xf32, #tpu.memory_space<vmem>>, vector<1x1x64xf32>
    %get3A_579 = vector.shape_cast %get3A_578 : vector<1x1x64xf32> to vector<1x64xf32>
    %add3A_580 = vector.broadcast %get3A_579 : vector<1x64xf32> to vector<4096x64xf32>
    %add3A_581 = arith.addf %add3A_529, %add3A_580 : vector<4096x64xf32>
    %max3A = arith.constant 0.000000e+00 : f32
    %max3A_582 = vector.broadcast %max3A : f32 to vector<4096x64xf32>
    %max3A_583 = arith.maximumf %add3A_581, %max3A_582 : vector<4096x64xf32>
    %transpose3A = tpu.transpose %max3A_583, [1, 0] : vector<4096x64xf32> -> vector<64x4096xf32>
    %swap3A = arith.constant 0 : index
    %swap3A_584 = arith.constant 0 : index
    %swap3A_585 = arith.constant 0 : index
    %swap3A_586 = vector.load %arg7[%swap3A, %swap3A_584, %swap3A_585] : memref<1x64x4096xf32, #tpu.memory_space<vmem>>, vector<1x64x4096xf32>
    %swap3A_587 = vector.shape_cast %swap3A_586 : vector<1x64x4096xf32> to vector<64x4096xf32>
    %swap3A_588 = vector.shape_cast %transpose3A : vector<64x4096xf32> to vector<1x64x4096xf32>
    tpu.vector_store %arg7[%swap3A, %swap3A_584, %swap3A_585], %swap3A_588 {strides = array<i32>} : memref<1x64x4096xf32, #tpu.memory_space<vmem>>, vector<1x64x4096xf32>,
    %get3A_589 = arith.constant 1 : index
    %get3A_590 = arith.constant 0 : index
    %get3A_591 = arith.constant 0 : index
    %get3A_592 = vector.load %arg4[%get3A_589, %get3A_590, %get3A_591] : memref<6x1x64xf32, #tpu.memory_space<vmem>>, vector<1x1x64xf32>
    %get3A_593 = vector.shape_cast %get3A_592 : vector<1x1x64xf32> to vector<1x64xf32>
    %add3A_594 = vector.broadcast %get3A_593 : vector<1x64xf32> to vector<4096x64xf32>
    %add3A_595 = arith.addf %add3A_538, %add3A_594 : vector<4096x64xf32>
    %max3A_596 = arith.constant 0.000000e+00 : f32
    %max3A_597 = vector.broadcast %max3A_596 : f32 to vector<4096x64xf32>
    %max3A_598 = arith.maximumf %add3A_595, %max3A_597 : vector<4096x64xf32>
    %transpose3A_599 = tpu.transpose %max3A_598, [1, 0] : vector<4096x64xf32> -> vector<64x4096xf32>
    %swap3A_600 = arith.constant 0 : index
    %swap3A_601 = arith.constant 0 : index
    %swap3A_602 = arith.constant 0 : index
    %swap3A_603 = vector.load %arg8[%swap3A_600, %swap3A_601, %swap3A_602] : memref<1x64x4096xf32, #tpu.memory_space<vmem>>, vector<1x64x4096xf32>
    %swap3A_604 = vector.shape_cast %swap3A_603 : vector<1x64x4096xf32> to vector<64x4096xf32>
    %swap3A_605 = vector.shape_cast %transpose3A_599 : vector<64x4096xf32> to vector<1x64x4096xf32>
    tpu.vector_store %arg8[%swap3A_600, %swap3A_601, %swap3A_602], %swap3A_605 {strides = array<i32>} : memref<1x64x4096xf32, #tpu.memory_space<vmem>>, vector<1x64x4096xf32>,
    %get3A_606 = arith.constant 2 : index
    %get3A_607 = arith.constant 0 : index
    %get3A_608 = arith.constant 0 : index
    %get3A_609 = vector.load %arg4[%get3A_606, %get3A_607, %get3A_608] : memref<6x1x64xf32, #tpu.memory_space<vmem>>, vector<1x1x64xf32>
    %get3A_610 = vector.shape_cast %get3A_609 : vector<1x1x64xf32> to vector<1x64xf32>
    %add3A_611 = vector.broadcast %get3A_610 : vector<1x64xf32> to vector<4096x64xf32>
    %add3A_612 = arith.addf %add3A_547, %add3A_611 : vector<4096x64xf32>
    %max3A_613 = arith.constant 0.000000e+00 : f32
    %max3A_614 = vector.broadcast %max3A_613 : f32 to vector<4096x64xf32>
    %max3A_615 = arith.maximumf %add3A_612, %max3A_614 : vector<4096x64xf32>
    %get3A_616 = arith.constant 0 : index
    %get3A_617 = arith.constant 0 : index
    %get3A_618 = vector.load %arg5[%get3A_616, %get3A_617] : memref<64x8xf32, #tpu.memory_space<vmem>>, vector<64x8xf32>
    %dot_general3A_619 = arith.constant dense<0.000000e+00> : vector<4096x8xf32>
    %dot_general3A_620 = tpu.matmul %max3A_615, %get3A_618, %dot_general3A_619 {dimension_numbers = #tpu.dot_dimension_numbers<[1], [0], [0], [1], [0, 0, 1, 1], [], []>, transpose_lhs_hint = false} : vector<4096x64xf32>, vector<64x8xf32>, vector<4096x8xf32> -> vector<4096x8xf32>
    %get3A_621 = arith.constant 0 : index
    %get3A_622 = arith.constant 0 : index
    %get3A_623 = vector.load %arg6[%get3A_621, %get3A_622] : memref<1x8xf32, #tpu.memory_space<vmem>>, vector<1x8xf32>
    %add3A_624 = vector.broadcast %get3A_623 : vector<1x8xf32> to vector<4096x8xf32>
    %add3A_625 = arith.addf %dot_general3A_620, %add3A_624 : vector<4096x8xf32>
    %logistic3A = arith.negf %add3A_625 : vector<4096x8xf32>
    %logistic3A_626 = math.exp %logistic3A : vector<4096x8xf32>
    %logistic3A_627 = arith.constant 1.000000e+00 : f32
    %logistic3A_628 = vector.broadcast %logistic3A_627 : f32 to vector<4096x8xf32>
    %logistic3A_629 = arith.addf %logistic3A_628, %logistic3A_626 : vector<4096x8xf32>
    %logistic3A_630 = arith.divf %logistic3A_628, %logistic3A_629 : vector<4096x8xf32>
    %transpose3A_631 = tpu.transpose %logistic3A_630, [1, 0] : vector<4096x8xf32> -> vector<8x4096xf32>
    %swap3A_632 = arith.constant 0 : index
    %swap3A_633 = arith.constant 0 : index
    %swap3A_634 = arith.constant 0 : index
    %swap3A_635 = vector.load %arg12[%swap3A_632, %swap3A_633, %swap3A_634] : memref<1x8x4096xf32, #tpu.memory_space<vmem>>, vector<1x8x4096xf32>
    %swap3A_636 = vector.shape_cast %swap3A_635 : vector<1x8x4096xf32> to vector<8x4096xf32>
    %swap3A_637 = vector.shape_cast %transpose3A_631 : vector<8x4096xf32> to vector<1x8x4096xf32>
    tpu.vector_store %arg12[%swap3A_632, %swap3A_633, %swap3A_634], %swap3A_637 {strides = array<i32>} : memref<1x8x4096xf32, #tpu.memory_space<vmem>>, vector<1x8x4096xf32>,
    %get3A_638 = arith.constant 3 : index
    %get3A_639 = arith.constant 0 : index
    %get3A_640 = arith.constant 0 : index
    %get3A_641 = vector.load %arg4[%get3A_638, %get3A_639, %get3A_640] : memref<6x1x64xf32, #tpu.memory_space<vmem>>, vector<1x1x64xf32>
    %get3A_642 = vector.shape_cast %get3A_641 : vector<1x1x64xf32> to vector<1x64xf32>
    %add3A_643 = vector.broadcast %get3A_642 : vector<1x64xf32> to vector<4096x64xf32>
    %add3A_644 = arith.addf %add3A_556, %add3A_643 : vector<4096x64xf32>
    %max3A_645 = arith.constant 0.000000e+00 : f32
    %max3A_646 = vector.broadcast %max3A_645 : f32 to vector<4096x64xf32>
    %max3A_647 = arith.maximumf %add3A_644, %max3A_646 : vector<4096x64xf32>
    %transpose3A_648 = tpu.transpose %max3A_647, [1, 0] : vector<4096x64xf32> -> vector<64x4096xf32>
    %swap3A_649 = arith.constant 0 : index
    %swap3A_650 = arith.constant 0 : index
    %swap3A_651 = arith.constant 0 : index
    %swap3A_652 = vector.load %arg9[%swap3A_649, %swap3A_650, %swap3A_651] : memref<1x64x4096xf32, #tpu.memory_space<vmem>>, vector<1x64x4096xf32>
    %swap3A_653 = vector.shape_cast %swap3A_652 : vector<1x64x4096xf32> to vector<64x4096xf32>
    %swap3A_654 = vector.shape_cast %transpose3A_648 : vector<64x4096xf32> to vector<1x64x4096xf32>
    tpu.vector_store %arg9[%swap3A_649, %swap3A_650, %swap3A_651], %swap3A_654 {strides = array<i32>} : memref<1x64x4096xf32, #tpu.memory_space<vmem>>, vector<1x64x4096xf32>,
    %get3A_655 = arith.constant 4 : index
    %get3A_656 = arith.constant 0 : index
    %get3A_657 = arith.constant 0 : index
    %get3A_658 = vector.load %arg4[%get3A_655, %get3A_656, %get3A_657] : memref<6x1x64xf32, #tpu.memory_space<vmem>>, vector<1x1x64xf32>
    %get3A_659 = vector.shape_cast %get3A_658 : vector<1x1x64xf32> to vector<1x64xf32>
    %add3A_660 = vector.broadcast %get3A_659 : vector<1x64xf32> to vector<4096x64xf32>
    %add3A_661 = arith.addf %add3A_565, %add3A_660 : vector<4096x64xf32>
    %max3A_662 = arith.constant 0.000000e+00 : f32
    %max3A_663 = vector.broadcast %max3A_662 : f32 to vector<4096x64xf32>
    %max3A_664 = arith.maximumf %add3A_661, %max3A_663 : vector<4096x64xf32>
    %transpose3A_665 = tpu.transpose %max3A_664, [1, 0] : vector<4096x64xf32> -> vector<64x4096xf32>
    %swap3A_666 = arith.constant 0 : index
    %swap3A_667 = arith.constant 0 : index
    %swap3A_668 = arith.constant 0 : index
    %swap3A_669 = vector.load %arg10[%swap3A_666, %swap3A_667, %swap3A_668] : memref<1x64x4096xf32, #tpu.memory_space<vmem>>, vector<1x64x4096xf32>
    %swap3A_670 = vector.shape_cast %swap3A_669 : vector<1x64x4096xf32> to vector<64x4096xf32>
    %swap3A_671 = vector.shape_cast %transpose3A_665 : vector<64x4096xf32> to vector<1x64x4096xf32>
    tpu.vector_store %arg10[%swap3A_666, %swap3A_667, %swap3A_668], %swap3A_671 {strides = array<i32>} : memref<1x64x4096xf32, #tpu.memory_space<vmem>>, vector<1x64x4096xf32>,
    %get3A_672 = arith.constant 5 : index
    %get3A_673 = arith.constant 0 : index
    %get3A_674 = arith.constant 0 : index
    %get3A_675 = vector.load %arg4[%get3A_672, %get3A_673, %get3A_674] : memref<6x1x64xf32, #tpu.memory_space<vmem>>, vector<1x1x64xf32>
    %get3A_676 = vector.shape_cast %get3A_675 : vector<1x1x64xf32> to vector<1x64xf32>
    %add3A_677 = vector.broadcast %get3A_676 : vector<1x64xf32> to vector<4096x64xf32>
    %add3A_678 = arith.addf %add3A_574, %add3A_677 : vector<4096x64xf32>
    %max3A_679 = arith.constant 0.000000e+00 : f32
    %max3A_680 = vector.broadcast %max3A_679 : f32 to vector<4096x64xf32>
    %max3A_681 = arith.maximumf %add3A_678, %max3A_680 : vector<4096x64xf32>
    %transpose3A_682 = tpu.transpose %max3A_681, [1, 0] : vector<4096x64xf32> -> vector<64x4096xf32>
    %swap3A_683 = arith.constant 0 : index
    %swap3A_684 = arith.constant 0 : index
    %swap3A_685 = arith.constant 0 : index
    %swap3A_686 = vector.load %arg11[%swap3A_683, %swap3A_684, %swap3A_685] : memref<1x64x4096xf32, #tpu.memory_space<vmem>>, vector<1x64x4096xf32>
    %swap3A_687 = vector.shape_cast %swap3A_686 : vector<1x64x4096xf32> to vector<64x4096xf32>
    %swap3A_688 = vector.shape_cast %transpose3A_682 : vector<64x4096xf32> to vector<1x64x4096xf32>
    tpu.vector_store %arg11[%swap3A_683, %swap3A_684, %swap3A_685], %swap3A_688 {strides = array<i32>} : memref<1x64x4096xf32, #tpu.memory_space<vmem>>, vector<1x64x4096xf32>,
    return
  }
  func.func @transform_0(%arg0: i32, %arg1: i32) -> (i32, i32, i32, i32) {
    %c0_i32 = arith.constant 0 : i32
    %c0_i32_0 = arith.constant 0 : i32
    %c0_i32_1 = arith.constant 0 : i32
    %c0_i32_2 = arith.constant 0 : i32
    return %arg0, %c0_i32, %c0_i32_0, %c0_i32_1 : i32, i32, i32, i32
  }
  func.func @transform_1(%arg0: i32, %arg1: i32) -> (i32, i32, i32, i32) {
    %c0_i32 = arith.constant 0 : i32
    %c0_i32_0 = arith.constant 0 : i32
    %c0_i32_1 = arith.constant 0 : i32
    %c0_i32_2 = arith.constant 0 : i32
    %c0_i32_3 = arith.constant 0 : i32
    return %c0_i32, %c0_i32_0, %c0_i32_1, %c0_i32_2 : i32, i32, i32, i32
  }
  func.func @transform_2(%arg0: i32, %arg1: i32) -> (i32, i32, i32) {
    %c0_i32 = arith.constant 0 : i32
    %c0_i32_0 = arith.constant 0 : i32
    %c0_i32_1 = arith.constant 0 : i32
    %c0_i32_2 = arith.constant 0 : i32
    return %c0_i32, %c0_i32_0, %c0_i32_1 : i32, i32, i32
  }
  func.func @transform_3(%arg0: i32, %arg1: i32) -> (i32, i32) {
    %c0_i32 = arith.constant 0 : i32
    %c0_i32_0 = arith.constant 0 : i32
    %c0_i32_1 = arith.constant 0 : i32
    return %c0_i32, %c0_i32_0 : i32, i32
  }
  func.func @transform_4(%arg0: i32, %arg1: i32) -> (i32, i32) {
    %c0_i32 = arith.constant 0 : i32
    %c0_i32_0 = arith.constant 0 : i32
    %c0_i32_1 = arith.constant 0 : i32
    return %c0_i32, %c0_i32_0 : i32, i32
  }
  func.func @transform_5(%arg0: i32, %arg1: i32) -> (i32, i32, i32) {
    %c0_i32 = arith.constant 0 : i32
    %c0_i32_0 = arith.constant 0 : i32
    return %arg0, %c0_i32, %arg1 : i32, i32, i32
  }
  func.func @transform_6(%arg0: i32, %arg1: i32) -> (i32, i32, i32) {
    %c0_i32 = arith.constant 0 : i32
    %c0_i32_0 = arith.constant 0 : i32
    return %arg0, %c0_i32, %arg1 : i32, i32, i32
  }
  func.func @transform_7(%arg0: i32, %arg1: i32) -> (i32, i32, i32) {
    %c0_i32 = arith.constant 0 : i32
    %c0_i32_0 = arith.constant 0 : i32
    return %arg0, %c0_i32, %arg1 : i32, i32, i32
  }
  func.func @transform_8(%arg0: i32, %arg1: i32) -> (i32, i32, i32) {
    %c0_i32 = arith.constant 0 : i32
    %c0_i32_0 = arith.constant 0 : i32
    return %arg0, %c0_i32, %arg1 : i32, i32, i32
  }
  func.func @transform_9(%arg0: i32, %arg1: i32) -> (i32, i32, i32) {
    %c0_i32 = arith.constant 0 : i32
    %c0_i32_0 = arith.constant 0 : i32
    return %arg0, %c0_i32, %arg1 : i32, i32, i32
  }
  func.func @transform_10(%arg0: i32, %arg1: i32) -> (i32, i32, i32) {
    %c0_i32 = arith.constant 0 : i32
    %c0_i32_0 = arith.constant 0 : i32
    return %arg0, %c0_i32, %arg1 : i32, i32, i32
  }
}

</mosaic_0001>

<sc_bundles>
// kernel: sparse-core-data-format-call.1.cloned.1.call-start
scs
called_computation.1_lowered:
.L_overlay_start_0:
0x0: {  	s2 =	sld [smem:$0x3FD9]  }
0x1: {  	s3 =	sld [smem:$0x3FFE];
	_ =	sdelay $0x1  }
0x2: {  	s1 =	srdreg.scid  }
0x3: {  	s0 =	sand.u32 $0x1, s1  }
0x4: {  	s16 =	sshll.u32 s0, $0xA;
	s2 =	sadd.s32 s3, s2  }
0x5: {  	s2 =	sadd.s32 s2, s16  }
0x6: {  	[smem:$0x3FAD] =	sst s2  }
0x7: {  	_ = 	snop  }
0x8: {  	s2 =	sld [smem:$0x3FD0];
	_ =	sdelay $0x2  }
0x9: {  	s17 =	simm.s32 $0xE;
	s4 =	simm.s32 $0x10  }
0xa: {  	[smem:s4], [sflag:s17] =	dma.local [hbm:s2], $0x1  }
0xb: {  	_ =	swait.eq [sflag:s17], $0x1  }
0xc: {  	[sflag:s17] =	ssyncset.done $0x0  }
0xd: {  	[sflag:s17] =	ssyncadd.s32 $0xFFFFFFFF  }
0xe: {  	s18 =	sld [smem:$0x14];
	(tm) =	ssettm $0x1  }
0xf: {  	s19 =	sld [smem:$0x3FFB];
	_ =	sdelay $0x3  }
0x10: {  	_ =	strace s19  }
0x11: {  	s2 =	sld [smem:$0x3FFC];
	_ =	sdelay $0x3  }
0x12: {  	_ =	strace s2  }
0x13: {  	s2 =	sld [smem:$0x3FFD];
	_ =	sdelay $0x3  }
0x14: {  	_ =	strace s2  }
0x15: {  	_ =	strace $0x8FFFFFFF  }
0x16: {  	s20 =	sld [smem:$0x3FDB];
	_ =	sdelay $0x1  }
0x17: {  	s21 =	simm.s32 $_scs_section_size  }
0x18: {  	s5 =	simm.s32 $_size__tile_overlayer_lowered;
	s6 =	simm.s32 $_tile_overlayer_lowered  }
0x19: {  	s7 =	simm.s32 $0x1BFF;
	s22 =	sshll.u32 s6, $0x1;
	s4 =	sadd.s32 s21, s20  }
0x1a: {  	s23 =	simm.s32 $0x0;
	s5 =	sshll.u32 s5, $0x1;
	s6 =	sadd.s32 s22, s4  }
0x1b: {  	[timem:s23], [sflag:s7] =	dma.local [hbm:s6], s5  }
0x1c: {  	_ =	swait.ge [sflag:s7], s5  }
0x1d: {  	s5 =	ssub.s32 $0x0, s5;
	[sflag:s7] =	ssyncset.done $0x0  }
0x1e: {  	[sflag:s7] =	ssyncadd.s32 s5;
	_ =	sdelay $0x1  }
0x1f: {  	s24 =	simm.s32 $0x1B8B  }
0x20: {  	_ =	swait.ge [sflag:s24], $0x1  }
0x21: {  	[sflag:s24] =	ssyncset.done $0x0  }
0x22: {  	[sflag:s24] =	ssyncadd.s32 $0xFFFFFFFF  }
0x23: {  	s5 =	sld [smem:$0x0]  }
0x24: {  	s6 =	sand.u32 $0xFFFFFFFE, s1  }
0x25: {  	p0 =	sne.s32 s1, s6  }
0x26: {  	s6 =	sshll.u32 @p0 s6, $0xE  }
0x27: {  	s6 =	sadd.s32 @p0 $0x11B8D, s6;
	s7 =	sshll.u32 @p0 s5, $0x11  }
0x28: {  	s6 =	sor.u32 @p0 s7, s6  }
0x29: {  	[sflag:s6] =	ssyncadd.remote.s32 @p0 $0x1;
	_ =	sdelay $0x1  }
0x2a: {  	s6 =	simm.s32 @p0 $0x1B8D  }
0x2b: {  	_ =	swait.eq @p0 [sflag:s6], $0x1  }
0x2c: {  	[sflag:s6] =	ssyncadd.s32 @p0 $0xFFFFFFFF  }
0x2d: {  	s7 =	sshll.u32 @!p0 s1, $0xE  }
0x2e: {  	s7 =	sor.u32 @!p0 $0x4000, s7;
	s6 =	simm.s32 @!p0 $0x1B8D  }
0x2f: {  	s5 =	sshll.u32 @!p0 s5, $0x11;
	s7 =	sadd.s32 @!p0 $0x11B8D, s7;
	_ =	swait.eq @!p0 [sflag:s6], $0x1  }
0x30: {  	s5 =	sor.u32 @!p0 s5, s7;
	[sflag:s6] =	ssyncadd.s32 @!p0 $0xFFFFFFFF  }
0x31: {  	s26 =	simm.s32 $0x1B8E;
	s25 =	sld [smem:$0x3FFE];
	[sflag:s5] =	ssyncadd.remote.s32 @!p0 $0x1  }
0x32: {  	s27 =	simm.s32 $execute0_lowered;
	[smem:$0x3FD2] =	sst s26  }
0x33: {  	s6 =	sshll.u32 s27, $0x1;
	_ =	strace $0x8000004F;
	[dreg:$0x1] =	wrdreg $0xFFFFFFFF  }
0x34: {  	s28 =	simm.s32 $_size_execute0_lowered;
	s4 =	sadd.s32 s4, s6;
	[dreg:$0x0] =	wrdreg $0x0  }
0x35: {  	s6 =	sshll.u32 s28, $0x1;
	[dreg:$0x2] =	wrdreg s4  }
0x36: {  	[dreg:$0x3] =	wrdreg s6  }
0x37: {  	[dreg:$0x4] =	wrdreg $0xC0  }
0x38: {  	_ =	task [dreg:s23], $0x5FFFF  }
0x39: {  	[dreg:$0x1] =	wrdreg $0xFFFFFFFF  }
0x3a: {  	[dreg:$0x0] =	wrdreg $0x60  }
0x3b: {  	[dreg:$0x2] =	wrdreg s25  }
0x3c: {  	[dreg:$0x3] =	wrdreg s18  }
0x3d: {  	[dreg:$0x4] =	wrdreg $0xA  }
0x3e: {  	_ =	task.clear_ibuf [dreg:s23], $0x5FFFF;
	_ =	strace $0x9000004F  }
0x3f: {  	s29 =	simm.s32 $0xA;
	_ =	strace $0x80000051  }
0x40: {  	_ =	swait.ge [sflag:s29], $0x1  }
0x41: {  	[sflag:s29] =	ssyncadd.s32 $0xFFFFFFFF  }
0x42: {  	_ =	strace $0x90000051  }
0x43: {  	_ =	sfence  }
0x44: {  	s30 =	sld [smem:$0x0];
	_ =	sdelay $0x2  }
0x45: {  	s31 =	sshll.u32 s1, $0xD;
	s1 =	sshrl.u32 s1, $0x2  }
0x46: {  	s4 =	sand.u32 $0x4000, s31;
	s1 =	sadd.s32 s1, s30  }
0x47: {  	s0 =	sor.u32 s4, s0;
	s1 =	sshll.u32 s1, $0x11  }
0x48: {  	s0 =	sor.u32 s1, s0  }
0x49: {  	s0 =	sadd.s32 $0x8F2B, s0  }
0x4a: {  	[sflag:s0] =	ssyncadd.remote.s32 $0x1  }
0x4b: {  	_ =	sfence.sel $0xFFFF  }
0x4c: {  	[dreg:$0x0] =	wrdreg $0xFFFFFFFF;
	(pc) =	sbr.abs _section_cstart, $3  }
0x4d: {  	[dreg:$0x1] =	wrdreg $0xFFFFFFFF  }
0x4e: {  	_ =	task.clear_ibuf [dreg:s23], $0x2FFFF;
	_ =	strace $0x9FFFFFFF  }
0x4f: {  	(tm) =	ssettm $0x7FFFFFFF  }
tec
execute0_lowered:
.L_overlay_start_1:
0x0: {  	(tag) =	ssettag $0x1  }
0x1: {  	s1 =	rddreg [dreg:$0x0]  }
0x2: {  	s2 =	rddreg [dreg:$0x1]  }
0x3: {  	s0 =	rddreg [dreg:$0x2];
	_ =	strace $0x80000050;
	s4 =	srdreg.scid  }
0x4: {  	s6 =	simm.s32 $0x2;
	s11 =	simm.s32 $0x0;
	p0 =	por $0x0, $0x0  }
.Ltmp0:
0x5: {  	s7 =	simm.s32 $0x4000;
	s12 =	simm.s32 $0x0;
	(pc) =	sbr.rel .LBB1_1-.Ltmp0, $4  }
0x6: {  	s9 =	simm.s32 $0x0;
	s3 =	sadd.s32 $0x435E00, s1;
	s5 =	sshll.u32 s4, $0x4  }
0x7: {  	s1 =	stileid.u32;
	s4 =	simm.s32 $0x1;
	s5 =	sand.u32 $0x10, s5  }
0x8: {  	s8 =	simm.s32 $0x0;
	[sflag:s4] =	ssyncpa.u1 $0x0;
	s5 =	sor.u32 s1, s5  }
0x9: {  	[sflag:s6] =	ssyncpa.u1 $0x0;
	s6 =	simm.s32 $0x800;
	s10 =	smov.u32 s5  }
.LBB1_7:
0xa: {  	s13 =	sadd.s32 $0x10, s9  }
0xb: {  	s11 =	sadd.s32 $0x20, s10;
	s15 =	smov.u32 s10;
	p2 =	sgt.s32 s13, $0x7F  }
0xc: {  	p1 =	slt.u32 s8, $0x2;
	s15 =	smov.u32 @p2 s11  }
0xd: {  	s8 =	sadd.s32 $0x1, s8;
	s13 =	simm.s32 @p2 $0x0;
	p2 =	sgt.s32 s15, $0x3F  }
0xe: {  	s15 =	smov.u32 @p2 s5;
	p2 =	sne.s32 s8, $0x12  }
.Ltmp1:
0xf: {  	_ = 	snop;
	(pc) =	sbr.rel @!p2 .LBB1_8-.Ltmp1, $4  }
0x10: {  	s14 =	simm.s32 @!p1 $0x2  }
0x11: {  	s12 =	smov.u32 s10;
	_ =	swait.ge @!p1 [sflag:s14], $0x4000  }
0x12: {  	p0 =	por !p0, !p0;
	s11 =	smov.u32 s9;
	[sflag:s14] =	ssyncset.done @!p1 $0x0  }
0x13: {  	s9 =	smov.u32 s13;
	[sflag:s14] =	ssyncadd.s32 @!p1 $0xFFFFC000;
	s10 =	smov.u32 s15  }
.LBB1_1:
0x14: {  	p1 =	sgt.u32 s8, $0xF  }
0x15: {  	s13 =	sxor.u32 @!p1 $0xFFFFFFFF, s8;
	s14 =	sshll.u32 @!p1 s10, $0xE  }
0x16: {  	s15 =	sshll.u32 @!p1 s9, $0x7;
	s13 =	sshll.u32 @!p1 s13, $0xE;
	s14 =	sadd.s32 @!p1 s3, s14  }
0x17: {  	s13 =	sand.u32 @!p1 $0x4000, s13;
	s14 =	sadd.s32 @!p1 s15, s14;
	s15 =	simm.s32 @!p1 $0x0  }
0x18: {  	[tilespmem:s13], [sflag:$0x1] =	stream.linear.gather @!p1 [hbm4b:s14+s15], $0x4000, $0x38;
	[tilespmem:$0x10000] =	vst v63  }
0x19: {  	p1 =	seq.s32 s8, $0x0  }
0x1a: {  	p2 =	seq.s32 @!p1 s8, $0x11  }
0x1b: {  	p1 =	por p1, p2  }
.Ltmp2:
0x1c: {  	_ = 	snop;
	(pc) =	sbr.rel @p1 .LBB1_7-.Ltmp2, $1  }
0x1d: {  	_ =	sdelay $0x3  }
0x1e: {  	s13 =	simm.s32 $0x1;
	_ =	swait.ge [sflag:s4], $0x4000;
	s16 =	sshll.u32 s8, $0xE  }
0x1f: {  	s13 =	simm.s32 @!p0 $0x0;
	[sflag:s4] =	ssyncset.done $0x0;
	s31 =	sand.u32 $0x4000, s16  }
0x20: {  	s16 =	simm.s32 $0x0;
	s14 =	sshll.u32 s13, $0xE;
	[sflag:s4] =	ssyncadd.s32 $0xFFFFC000  }
0x21: {  	s13 =	sor.u32 $0x8040, s14;
	s15 =	sor.u32 $0x40, s14;
	s14 =	sor.u32 $0x8000, s31  }
.LBB1_3:
0x22: {  	v0 =	vmov s15;
	_ =	sdelay $0x3  }
0x23: {  	s18 =	simm.s32 $0x0  }
0x24: {  	v6 =	vld.idx.msk [tilespmem:v0+s18+$0x30 ss:$0x1], $0xffff  }
0x25: {  	v7 =	vld.idx.msk [tilespmem:v0+s18+$0xFFFFFFC0 ss:$0x1], $0xffff  }
0x26: {  	v5 =	vld.idx.msk [tilespmem:v0+s18+$0xFFFFFFD0 ss:$0x1], $0xffff  }
0x27: {  	v4 =	vld.idx.msk [tilespmem:v0+s18+$0xFFFFFFE0 ss:$0x1], $0xffff  }
0x28: {  	v3 =	vld.idx.msk [tilespmem:v0+s18+$0xFFFFFFF0 ss:$0x1], $0xffff  }
0x29: {  	v1 =	vld.idx.msk [tilespmem:v0+s18+$0x0 ss:$0x1], $0xffff  }
0x2a: {  	v2 =	vld.idx.msk [tilespmem:v0+s18+$0x10 ss:$0x1], $0xffff;
	[tilespmem:s13+$0x30] =	vst v6  }
0x2b: {  	s17 =	simm.s32 $0x80;
	s19 =	simm.s32 $0x400;
	[tilespmem:s13+$0xFFFFFFC0] =	vst v7;
	v6 =	vld.idx.msk [tilespmem:v0+s18+$0x20 ss:$0x1], $0xffff;
	s18 =	smov.u32 s13  }
.LBB1_4:
0x2c: {  	p1 =	sne.s32 s19, $0xE00;
	v7 =	vld.idx.msk [tilespmem:v0+s17+$0x30 ss:$0x1], $0xffff;
	[tilespmem:s18+$0xFFFFFFD0] =	vst v5  }
0x2d: {  	v8 =	vld.idx.msk [tilespmem:v0+s17+$0xFFFFFFC0 ss:$0x1], $0xffff;
	[tilespmem:s18+$0xFFFFFFE0] =	vst v4  }
0x2e: {  	v5 =	vld.idx.msk [tilespmem:v0+s17+$0xFFFFFFD0 ss:$0x1], $0xffff;
	[tilespmem:s18+$0xFFFFFFF0] =	vst v3  }
.Ltmp3:
0x2f: {  	v4 =	vld.idx.msk [tilespmem:v0+s17+$0xFFFFFFE0 ss:$0x1], $0xffff;
	[tilespmem:s18+$0x0] =	vst v1;
	(pc) =	sbr.rel @p1 .LBB1_4-.Ltmp3, $4  }
0x30: {  	v3 =	vld.idx.msk [tilespmem:v0+s17+$0xFFFFFFF0 ss:$0x1], $0xffff;
	[tilespmem:s18+$0x10] =	vst v2  }
0x31: {  	v1 =	vld.idx.msk [tilespmem:v0+s17+$0x0 ss:$0x1], $0xffff;
	[tilespmem:s18+$0x20] =	vst v6;
	s18 =	sadd.s32 $0x800, s18  }
0x32: {  	v2 =	vld.idx.msk [tilespmem:v0+s17+$0x10 ss:$0x1], $0xffff;
	[tilespmem:s18+$0x30] =	vst v7  }
0x33: {  	[tilespmem:s18+$0xFFFFFFC0] =	vst v8;
	v6 =	vld.idx.msk [tilespmem:v0+s17+$0x20 ss:$0x1], $0xffff;
	s17 =	sshra.s32 s19, $0x2;
	s19 =	sadd.s32 $0x200, s19  }
0x34: {  	_ =	sdelay $0x2  }
0x35: {  	[tilespmem:s18+$0xFFFFFFD0] =	vst v5  }
0x36: {  	v56 =	vld.idx.msk [tilespmem:v0+s17+$0x30 ss:$0x1], $0xffff;
	[tilespmem:s18+$0xFFFFFFE0] =	vst v4  }
0x37: {  	v57 =	vld.idx.msk [tilespmem:v0+s17+$0xFFFFFFC0 ss:$0x1], $0xffff;
	[tilespmem:s18+$0xFFFFFFF0] =	vst v3  }
0x38: {  	v58 =	vld.idx.msk [tilespmem:v0+s17+$0xFFFFFFD0 ss:$0x1], $0xffff;
	[tilespmem:s18+$0x0] =	vst v1  }
0x39: {  	v59 =	vld.idx.msk [tilespmem:v0+s17+$0xFFFFFFE0 ss:$0x1], $0xffff;
	[tilespmem:s18+$0x10] =	vst v2  }
0x3a: {  	v60 =	vld.idx.msk [tilespmem:v0+s17+$0xFFFFFFF0 ss:$0x1], $0xffff;
	s31 =	sadd.s32 $0x800, s18;
	[tilespmem:s18+$0x20] =	vst v6  }
0x3b: {  	v61 =	vld.idx.msk [tilespmem:v0+s17+$0x0 ss:$0x1], $0xffff;
	[tilespmem:s31+$0x30] =	vst v56  }
0x3c: {  	v62 =	vld.idx.msk [tilespmem:v0+s17+$0x10 ss:$0x1], $0xffff;
	s16 =	sadd.s32 $0x1, s16;
	[tilespmem:s31+$0xFFFFFFC0] =	vst v57  }
0x3d: {  	v63 =	vld.idx.msk [tilespmem:v0+s17+$0x20 ss:$0x1], $0xffff;
	p1 =	sne.s32 s16, $0x10;
	[tilespmem:s31+$0xFFFFFFD0] =	vst v58  }
.Ltmp4:
0x3e: {  	[tilespmem:s31+$0xFFFFFFE0] =	vst v59;
	(pc) =	sbr.rel @p1 .LBB1_3-.Ltmp4, $4  }
0x3f: {  	[tilespmem:s31+$0xFFFFFFF0] =	vst v60  }
0x40: {  	[tilespmem:s31+$0x0] =	vst v61  }
0x41: {  	[tilespmem:s31+$0x10] =	vst v62  }
0x42: {  	s13 =	sadd.s32 $0x80, s13;
	s15 =	sadd.s32 $0x400, s15;
	[tilespmem:s31+$0x20] =	vst v63  }
.Ltmp5:
0x43: {  	(pc) =	sbr.rel .LBB1_7-.Ltmp5, $4  }
0x44: {  	s12 =	sshll.u32 s12, $0xE;
	s11 =	sshll.u32 s11, $0x4  }
0x45: {  	s11 =	sand.u32 $0x7F0, s11;
	s12 =	sadd.s32 s2, s12  }
0x46: {  	s11 =	sadd.s32 s11, s12  }
0x47: {  	[hbm4b:s11+s6] =	stream.strided.scatter [tilespmem:s14], [sflag:$0x2], $0x4000, s7, s6, $0x38;
	[tilespmem:$0x10000] =	vst v63  }
.LBB1_8:
0x48: {  	_ =	sfence.sel $0x180000  }
0x49: {  	s2 =	simm.s32 $0x1;
	[bflag:$0x0] =	sbarrier.arrive $0xFFFF  }
0x4a: {  	s31 =	simm.s32 $0x2;
	[sflag:s2] =	ssyncpa.u1 $0x1  }
0x4b: {  	[sflag:s31] =	ssyncpa.u1 $0x1  }
0x4c: {  	p0 =	sne.s32 s1, $0x0;
	_ =	strace $0x90000050  }
0x4d: {  	s0 =	sadd.s32 @!p0 $0x100000, s0;
	[bflag:$0x2] =	sbarrier.arrive $0xFFFF  }
0x4e: {  	[sflag:s0] =	ssyncadd.tile.s32 @!p0 $0x1;
	_ =	shalt  }
.Lfunc_end1:
_tile_overlayer_lowered:
.L_overlay_start_2:
0x4f: {  	(tag) =	ssettag $0x2  }
0x50: {  	s0 =	rddreg [dreg:$0x0];
	s2 =	stileid.u32  }
0x51: {  	s1 =	rddreg [dreg:$0x1];
	p0 =	sne.s32 s2, $0x0  }
0x52: {  	s3 =	rddreg [dreg:$0x2];
	[bflag:$0x3] =	sbarrier.arrive $0xFFFF;
	s2 =	simm.s32 @!p0 $0x1C01  }
0x53: {  	[timem:s3], [sflag:s2] =	dma.local @!p0 [hbm:s0], s1  }
0x54: {  	s0 =	simm.s32 @!p0 $0x1  }
0x55: {  	_ =	swait.ge @!p0 [sflag:s0], s1  }
0x56: {  	s1 =	ssub.s32 @!p0 $0x0, s1;
	[sflag:s0] =	ssyncset.done @!p0 $0x0  }
0x57: {  	[sflag:s0] =	ssyncadd.s32 @!p0 s1  }
0x58: {  	[bflag:$0x3] =	sbarrier.arrive $0xFFFF  }
0x59: {  	_ =	shalt  }

// kernel: sparse-core-data-format-call.2.cloned.1.call-start
scs
called_computation.2_lowered:
.L_overlay_start_0:
0x0: {  	s2 =	sld [smem:$0x3FD9]  }
0x1: {  	s3 =	sld [smem:$0x3FFE];
	_ =	sdelay $0x1  }
0x2: {  	s1 =	srdreg.scid  }
0x3: {  	s0 =	sand.u32 $0x1, s1  }
0x4: {  	s16 =	sshll.u32 s0, $0xA;
	s2 =	sadd.s32 s3, s2  }
0x5: {  	s2 =	sadd.s32 s2, s16  }
0x6: {  	[smem:$0x3FAD] =	sst s2  }
0x7: {  	_ = 	snop  }
0x8: {  	s2 =	sld [smem:$0x3FD0];
	_ =	sdelay $0x2  }
0x9: {  	s17 =	simm.s32 $0xE;
	s4 =	simm.s32 $0x10  }
0xa: {  	[smem:s4], [sflag:s17] =	dma.local [hbm:s2], $0x1  }
0xb: {  	_ =	swait.eq [sflag:s17], $0x1  }
0xc: {  	[sflag:s17] =	ssyncset.done $0x0  }
0xd: {  	[sflag:s17] =	ssyncadd.s32 $0xFFFFFFFF  }
0xe: {  	s18 =	sld [smem:$0x13];
	(tm) =	ssettm $0x1  }
0xf: {  	s19 =	sld [smem:$0x3FFB];
	_ =	sdelay $0x3  }
0x10: {  	_ =	strace s19  }
0x11: {  	s2 =	sld [smem:$0x3FFC];
	_ =	sdelay $0x3  }
0x12: {  	_ =	strace s2  }
0x13: {  	s2 =	sld [smem:$0x3FFD];
	_ =	sdelay $0x3  }
0x14: {  	_ =	strace s2  }
0x15: {  	_ =	strace $0x8FFFFFFF  }
0x16: {  	s20 =	sld [smem:$0x3FDB];
	_ =	sdelay $0x1  }
0x17: {  	s21 =	simm.s32 $_scs_section_size  }
0x18: {  	s5 =	simm.s32 $_size__tile_overlayer_lowered;
	s6 =	simm.s32 $_tile_overlayer_lowered  }
0x19: {  	s7 =	simm.s32 $0x1BFF;
	s22 =	sshll.u32 s6, $0x1;
	s4 =	sadd.s32 s21, s20  }
0x1a: {  	s23 =	simm.s32 $0x0;
	s5 =	sshll.u32 s5, $0x1;
	s6 =	sadd.s32 s22, s4  }
0x1b: {  	[timem:s23], [sflag:s7] =	dma.local [hbm:s6], s5  }
0x1c: {  	_ =	swait.ge [sflag:s7], s5  }
0x1d: {  	s5 =	ssub.s32 $0x0, s5;
	[sflag:s7] =	ssyncset.done $0x0  }
0x1e: {  	[sflag:s7] =	ssyncadd.s32 s5;
	_ =	sdelay $0x1  }
0x1f: {  	s24 =	simm.s32 $0x1B8B  }
0x20: {  	_ =	swait.ge [sflag:s24], $0x1  }
0x21: {  	[sflag:s24] =	ssyncset.done $0x0  }
0x22: {  	[sflag:s24] =	ssyncadd.s32 $0xFFFFFFFF  }
0x23: {  	s5 =	sld [smem:$0x0]  }
0x24: {  	s6 =	sand.u32 $0xFFFFFFFE, s1  }
0x25: {  	p0 =	sne.s32 s1, s6  }
0x26: {  	s6 =	sshll.u32 @p0 s6, $0xE  }
0x27: {  	s6 =	sadd.s32 @p0 $0x11B8D, s6;
	s7 =	sshll.u32 @p0 s5, $0x11  }
0x28: {  	s6 =	sor.u32 @p0 s7, s6  }
0x29: {  	[sflag:s6] =	ssyncadd.remote.s32 @p0 $0x1;
	_ =	sdelay $0x1  }
0x2a: {  	s6 =	simm.s32 @p0 $0x1B8D  }
0x2b: {  	_ =	swait.eq @p0 [sflag:s6], $0x1  }
0x2c: {  	[sflag:s6] =	ssyncadd.s32 @p0 $0xFFFFFFFF  }
0x2d: {  	s7 =	sshll.u32 @!p0 s1, $0xE  }
0x2e: {  	s7 =	sor.u32 @!p0 $0x4000, s7;
	s6 =	simm.s32 @!p0 $0x1B8D  }
0x2f: {  	s5 =	sshll.u32 @!p0 s5, $0x11;
	s7 =	sadd.s32 @!p0 $0x11B8D, s7;
	_ =	swait.eq @!p0 [sflag:s6], $0x1  }
0x30: {  	s5 =	sor.u32 @!p0 s5, s7;
	[sflag:s6] =	ssyncadd.s32 @!p0 $0xFFFFFFFF  }
0x31: {  	s26 =	simm.s32 $0x1B8E;
	s25 =	sld [smem:$0x3FFE];
	[sflag:s5] =	ssyncadd.remote.s32 @!p0 $0x1  }
0x32: {  	s27 =	simm.s32 $execute0_lowered;
	[smem:$0x3FD2] =	sst s26  }
0x33: {  	s6 =	sshll.u32 s27, $0x1;
	_ =	strace $0x8000004C;
	[dreg:$0x1] =	wrdreg $0xFFFFFFFF  }
0x34: {  	s28 =	simm.s32 $_size_execute0_lowered;
	s4 =	sadd.s32 s4, s6;
	[dreg:$0x0] =	wrdreg $0x0  }
0x35: {  	s6 =	sshll.u32 s28, $0x1;
	[dreg:$0x2] =	wrdreg s4  }
0x36: {  	[dreg:$0x3] =	wrdreg s6  }
0x37: {  	[dreg:$0x4] =	wrdreg $0xC0  }
0x38: {  	_ =	task [dreg:s23], $0x5FFFF  }
0x39: {  	[dreg:$0x1] =	wrdreg $0xFFFFFFFF  }
0x3a: {  	[dreg:$0x0] =	wrdreg $0x60  }
0x3b: {  	[dreg:$0x2] =	wrdreg s25  }
0x3c: {  	[dreg:$0x3] =	wrdreg s18  }
0x3d: {  	[dreg:$0x4] =	wrdreg $0xB  }
0x3e: {  	_ =	task.clear_ibuf [dreg:s23], $0x5FFFF;
	_ =	strace $0x9000004C  }
0x3f: {  	s29 =	simm.s32 $0xB;
	_ =	strace $0x8000004E  }
0x40: {  	_ =	swait.ge [sflag:s29], $0x1  }
0x41: {  	[sflag:s29] =	ssyncadd.s32 $0xFFFFFFFF  }
0x42: {  	_ =	strace $0x9000004E  }
0x43: {  	_ =	sfence  }
0x44: {  	s30 =	sld [smem:$0x0];
	_ =	sdelay $0x2  }
0x45: {  	s31 =	sshll.u32 s1, $0xD;
	s1 =	sshrl.u32 s1, $0x2  }
0x46: {  	s4 =	sand.u32 $0x4000, s31;
	s1 =	sadd.s32 s1, s30  }
0x47: {  	s0 =	sor.u32 s4, s0;
	s1 =	sshll.u32 s1, $0x11  }
0x48: {  	s0 =	sor.u32 s1, s0  }
0x49: {  	s0 =	sadd.s32 $0x8F2B, s0  }
0x4a: {  	[sflag:s0] =	ssyncadd.remote.s32 $0x1  }
0x4b: {  	_ =	sfence.sel $0xFFFF  }
0x4c: {  	[dreg:$0x0] =	wrdreg $0xFFFFFFFF;
	(pc) =	sbr.abs _section_cstart, $3  }
0x4d: {  	[dreg:$0x1] =	wrdreg $0xFFFFFFFF  }
0x4e: {  	_ =	task.clear_ibuf [dreg:s23], $0x2FFFF;
	_ =	strace $0x9FFFFFFF  }
0x4f: {  	(tm) =	ssettm $0x7FFFFFFF  }
tec
execute0_lowered:
.L_overlay_start_1:
0x0: {  	(tag) =	ssettag $0x1  }
0x1: {  	s1 =	rddreg [dreg:$0x0]  }
0x2: {  	s2 =	rddreg [dreg:$0x1]  }
0x3: {  	s0 =	rddreg [dreg:$0x2];
	_ =	strace $0x8000004D;
	s4 =	srdreg.scid  }
0x4: {  	s6 =	simm.s32 $0x2;
	s11 =	simm.s32 $0x0;
	p0 =	por $0x0, $0x0  }
.Ltmp0:
0x5: {  	s7 =	simm.s32 $0x4000;
	s12 =	simm.s32 $0x0;
	(pc) =	sbr.rel .LBB1_1-.Ltmp0, $4  }
0x6: {  	s9 =	simm.s32 $0x0;
	s3 =	sadd.s32 $0x335E00, s1;
	s5 =	sshll.u32 s4, $0x4  }
0x7: {  	s1 =	stileid.u32;
	s4 =	simm.s32 $0x1;
	s5 =	sand.u32 $0x10, s5  }
0x8: {  	s8 =	simm.s32 $0x0;
	[sflag:s4] =	ssyncpa.u1 $0x0;
	s5 =	sor.u32 s1, s5  }
0x9: {  	[sflag:s6] =	ssyncpa.u1 $0x0;
	s6 =	simm.s32 $0x800;
	s10 =	smov.u32 s5  }
.LBB1_7:
0xa: {  	s13 =	sadd.s32 $0x10, s9  }
0xb: {  	s11 =	sadd.s32 $0x20, s10;
	s15 =	smov.u32 s10;
	p2 =	sgt.s32 s13, $0x7F  }
0xc: {  	p1 =	slt.u32 s8, $0x2;
	s15 =	smov.u32 @p2 s11  }
0xd: {  	s8 =	sadd.s32 $0x1, s8;
	s13 =	simm.s32 @p2 $0x0;
	p2 =	sgt.s32 s15, $0x3F  }
0xe: {  	s15 =	smov.u32 @p2 s5;
	p2 =	sne.s32 s8, $0x12  }
.Ltmp1:
0xf: {  	_ = 	snop;
	(pc) =	sbr.rel @!p2 .LBB1_8-.Ltmp1, $4  }
0x10: {  	s14 =	simm.s32 @!p1 $0x2  }
0x11: {  	s12 =	smov.u32 s10;
	_ =	swait.ge @!p1 [sflag:s14], $0x4000  }
0x12: {  	p0 =	por !p0, !p0;
	s11 =	smov.u32 s9;
	[sflag:s14] =	ssyncset.done @!p1 $0x0  }
0x13: {  	s9 =	smov.u32 s13;
	[sflag:s14] =	ssyncadd.s32 @!p1 $0xFFFFC000;
	s10 =	smov.u32 s15  }
.LBB1_1:
0x14: {  	p1 =	sgt.u32 s8, $0xF  }
0x15: {  	s13 =	sxor.u32 @!p1 $0xFFFFFFFF, s8;
	s14 =	sshll.u32 @!p1 s10, $0xE  }
0x16: {  	s15 =	sshll.u32 @!p1 s9, $0x7;
	s13 =	sshll.u32 @!p1 s13, $0xE;
	s14 =	sadd.s32 @!p1 s3, s14  }
0x17: {  	s13 =	sand.u32 @!p1 $0x4000, s13;
	s14 =	sadd.s32 @!p1 s15, s14;
	s15 =	simm.s32 @!p1 $0x0  }
0x18: {  	[tilespmem:s13], [sflag:$0x1] =	stream.linear.gather @!p1 [hbm4b:s14+s15], $0x4000, $0x38;
	[tilespmem:$0x10000] =	vst v63  }
0x19: {  	p1 =	seq.s32 s8, $0x0  }
0x1a: {  	p2 =	seq.s32 @!p1 s8, $0x11  }
0x1b: {  	p1 =	por p1, p2  }
.Ltmp2:
0x1c: {  	_ = 	snop;
	(pc) =	sbr.rel @p1 .LBB1_7-.Ltmp2, $1  }
0x1d: {  	_ =	sdelay $0x3  }
0x1e: {  	s13 =	simm.s32 $0x1;
	_ =	swait.ge [sflag:s4], $0x4000;
	s16 =	sshll.u32 s8, $0xE  }
0x1f: {  	s13 =	simm.s32 @!p0 $0x0;
	[sflag:s4] =	ssyncset.done $0x0;
	s31 =	sand.u32 $0x4000, s16  }
0x20: {  	s16 =	simm.s32 $0x0;
	s14 =	sshll.u32 s13, $0xE;
	[sflag:s4] =	ssyncadd.s32 $0xFFFFC000  }
0x21: {  	s13 =	sor.u32 $0x8040, s14;
	s15 =	sor.u32 $0x40, s14;
	s14 =	sor.u32 $0x8000, s31  }
.LBB1_3:
0x22: {  	v0 =	vmov s15;
	_ =	sdelay $0x3  }
0x23: {  	s18 =	simm.s32 $0x0  }
0x24: {  	v6 =	vld.idx.msk [tilespmem:v0+s18+$0x30 ss:$0x1], $0xffff  }
0x25: {  	v7 =	vld.idx.msk [tilespmem:v0+s18+$0xFFFFFFC0 ss:$0x1], $0xffff  }
0x26: {  	v5 =	vld.idx.msk [tilespmem:v0+s18+$0xFFFFFFD0 ss:$0x1], $0xffff  }
0x27: {  	v4 =	vld.idx.msk [tilespmem:v0+s18+$0xFFFFFFE0 ss:$0x1], $0xffff  }
0x28: {  	v3 =	vld.idx.msk [tilespmem:v0+s18+$0xFFFFFFF0 ss:$0x1], $0xffff  }
0x29: {  	v1 =	vld.idx.msk [tilespmem:v0+s18+$0x0 ss:$0x1], $0xffff  }
0x2a: {  	v2 =	vld.idx.msk [tilespmem:v0+s18+$0x10 ss:$0x1], $0xffff;
	[tilespmem:s13+$0x30] =	vst v6  }
0x2b: {  	s17 =	simm.s32 $0x80;
	s19 =	simm.s32 $0x400;
	[tilespmem:s13+$0xFFFFFFC0] =	vst v7;
	v6 =	vld.idx.msk [tilespmem:v0+s18+$0x20 ss:$0x1], $0xffff;
	s18 =	smov.u32 s13  }
.LBB1_4:
0x2c: {  	p1 =	sne.s32 s19, $0xE00;
	v7 =	vld.idx.msk [tilespmem:v0+s17+$0x30 ss:$0x1], $0xffff;
	[tilespmem:s18+$0xFFFFFFD0] =	vst v5  }
0x2d: {  	v8 =	vld.idx.msk [tilespmem:v0+s17+$0xFFFFFFC0 ss:$0x1], $0xffff;
	[tilespmem:s18+$0xFFFFFFE0] =	vst v4  }
0x2e: {  	v5 =	vld.idx.msk [tilespmem:v0+s17+$0xFFFFFFD0 ss:$0x1], $0xffff;
	[tilespmem:s18+$0xFFFFFFF0] =	vst v3  }
.Ltmp3:
0x2f: {  	v4 =	vld.idx.msk [tilespmem:v0+s17+$0xFFFFFFE0 ss:$0x1], $0xffff;
	[tilespmem:s18+$0x0] =	vst v1;
	(pc) =	sbr.rel @p1 .LBB1_4-.Ltmp3, $4  }
0x30: {  	v3 =	vld.idx.msk [tilespmem:v0+s17+$0xFFFFFFF0 ss:$0x1], $0xffff;
	[tilespmem:s18+$0x10] =	vst v2  }
0x31: {  	v1 =	vld.idx.msk [tilespmem:v0+s17+$0x0 ss:$0x1], $0xffff;
	[tilespmem:s18+$0x20] =	vst v6;
	s18 =	sadd.s32 $0x800, s18  }
0x32: {  	v2 =	vld.idx.msk [tilespmem:v0+s17+$0x10 ss:$0x1], $0xffff;
	[tilespmem:s18+$0x30] =	vst v7  }
0x33: {  	[tilespmem:s18+$0xFFFFFFC0] =	vst v8;
	v6 =	vld.idx.msk [tilespmem:v0+s17+$0x20 ss:$0x1], $0xffff;
	s17 =	sshra.s32 s19, $0x2;
	s19 =	sadd.s32 $0x200, s19  }
0x34: {  	_ =	sdelay $0x2  }
0x35: {  	[tilespmem:s18+$0xFFFFFFD0] =	vst v5  }
0x36: {  	v56 =	vld.idx.msk [tilespmem:v0+s17+$0x30 ss:$0x1], $0xffff;
	[tilespmem:s18+$0xFFFFFFE0] =	vst v4  }
0x37: {  	v57 =	vld.idx.msk [tilespmem:v0+s17+$0xFFFFFFC0 ss:$0x1], $0xffff;
	[tilespmem:s18+$0xFFFFFFF0] =	vst v3  }
0x38: {  	v58 =	vld.idx.msk [tilespmem:v0+s17+$0xFFFFFFD0 ss:$0x1], $0xffff;
	[tilespmem:s18+$0x0] =	vst v1  }
0x39: {  	v59 =	vld.idx.msk [tilespmem:v0+s17+$0xFFFFFFE0 ss:$0x1], $0xffff;
	[tilespmem:s18+$0x10] =	vst v2  }
0x3a: {  	v60 =	vld.idx.msk [tilespmem:v0+s17+$0xFFFFFFF0 ss:$0x1], $0xffff;
	s31 =	sadd.s32 $0x800, s18;
	[tilespmem:s18+$0x20] =	vst v6  }
0x3b: {  	v61 =	vld.idx.msk [tilespmem:v0+s17+$0x0 ss:$0x1], $0xffff;
	[tilespmem:s31+$0x30] =	vst v56  }
0x3c: {  	v62 =	vld.idx.msk [tilespmem:v0+s17+$0x10 ss:$0x1], $0xffff;
	s16 =	sadd.s32 $0x1, s16;
	[tilespmem:s31+$0xFFFFFFC0] =	vst v57  }
0x3d: {  	v63 =	vld.idx.msk [tilespmem:v0+s17+$0x20 ss:$0x1], $0xffff;
	p1 =	sne.s32 s16, $0x10;
	[tilespmem:s31+$0xFFFFFFD0] =	vst v58  }
.Ltmp4:
0x3e: {  	[tilespmem:s31+$0xFFFFFFE0] =	vst v59;
	(pc) =	sbr.rel @p1 .LBB1_3-.Ltmp4, $4  }
0x3f: {  	[tilespmem:s31+$0xFFFFFFF0] =	vst v60  }
0x40: {  	[tilespmem:s31+$0x0] =	vst v61  }
0x41: {  	[tilespmem:s31+$0x10] =	vst v62  }
0x42: {  	s13 =	sadd.s32 $0x80, s13;
	s15 =	sadd.s32 $0x400, s15;
	[tilespmem:s31+$0x20] =	vst v63  }
.Ltmp5:
0x43: {  	(pc) =	sbr.rel .LBB1_7-.Ltmp5, $4  }
0x44: {  	s12 =	sshll.u32 s12, $0xE;
	s11 =	sshll.u32 s11, $0x4  }
0x45: {  	s11 =	sand.u32 $0x7F0, s11;
	s12 =	sadd.s32 s2, s12  }
0x46: {  	s11 =	sadd.s32 s11, s12  }
0x47: {  	[hbm4b:s11+s6] =	stream.strided.scatter [tilespmem:s14], [sflag:$0x2], $0x4000, s7, s6, $0x38;
	[tilespmem:$0x10000] =	vst v63  }
.LBB1_8:
0x48: {  	_ =	sfence.sel $0x180000  }
0x49: {  	s2 =	simm.s32 $0x1;
	[bflag:$0x0] =	sbarrier.arrive $0xFFFF  }
0x4a: {  	s31 =	simm.s32 $0x2;
	[sflag:s2] =	ssyncpa.u1 $0x1  }
0x4b: {  	[sflag:s31] =	ssyncpa.u1 $0x1  }
0x4c: {  	p0 =	sne.s32 s1, $0x0;
	_ =	strace $0x9000004D  }
0x4d: {  	s0 =	sadd.s32 @!p0 $0x100000, s0;
	[bflag:$0x2] =	sbarrier.arrive $0xFFFF  }
0x4e: {  	[sflag:s0] =	ssyncadd.tile.s32 @!p0 $0x1;
	_ =	shalt  }
.Lfunc_end1:
_tile_overlayer_lowered:
.L_overlay_start_2:
0x4f: {  	(tag) =	ssettag $0x2  }
0x50: {  	s0 =	rddreg [dreg:$0x0];
	s2 =	stileid.u32  }
0x51: {  	s1 =	rddreg [dreg:$0x1];
	p0 =	sne.s32 s2, $0x0  }
0x52: {  	s3 =	rddreg [dreg:$0x2];
	[bflag:$0x3] =	sbarrier.arrive $0xFFFF;
	s2 =	simm.s32 @!p0 $0x1C01  }
0x53: {  	[timem:s3], [sflag:s2] =	dma.local @!p0 [hbm:s0], s1  }
0x54: {  	s0 =	simm.s32 @!p0 $0x1  }
0x55: {  	_ =	swait.ge @!p0 [sflag:s0], s1  }
0x56: {  	s1 =	ssub.s32 @!p0 $0x0, s1;
	[sflag:s0] =	ssyncset.done @!p0 $0x0  }
0x57: {  	[sflag:s0] =	ssyncadd.s32 @!p0 s1  }
0x58: {  	[bflag:$0x3] =	sbarrier.arrive $0xFFFF  }
0x59: {  	_ =	shalt  }

// kernel: sparse-core-data-format-call.3.cloned.1.call-start
scs
called_computation.3_lowered:
.L_overlay_start_0:
0x0: {  	s2 =	sld [smem:$0x3FD9]  }
0x1: {  	s3 =	sld [smem:$0x3FFE];
	_ =	sdelay $0x1  }
0x2: {  	s1 =	srdreg.scid  }
0x3: {  	s0 =	sand.u32 $0x1, s1  }
0x4: {  	s15 =	sshll.u32 s0, $0xA;
	s2 =	sadd.s32 s3, s2  }
0x5: {  	s2 =	sadd.s32 s2, s15  }
0x6: {  	[smem:$0x3FAD] =	sst s2  }
0x7: {  	_ = 	snop  }
0x8: {  	s2 =	sld [smem:$0x3FD0];
	_ =	sdelay $0x2  }
0x9: {  	s16 =	simm.s32 $0xE;
	s4 =	simm.s32 $0x10  }
0xa: {  	[smem:s4], [sflag:s16] =	dma.local [hbm:s2], $0x1  }
0xb: {  	_ =	swait.eq [sflag:s16], $0x1  }
0xc: {  	[sflag:s16] =	ssyncset.done $0x0  }
0xd: {  	[sflag:s16] =	ssyncadd.s32 $0xFFFFFFFF  }
0xe: {  	s17 =	sld [smem:$0x11];
	(tm) =	ssettm $0x1  }
0xf: {  	s18 =	sld [smem:$0x3FFB];
	_ =	sdelay $0x3  }
0x10: {  	_ =	strace s18  }
0x11: {  	s3 =	sld [smem:$0x3FFC];
	_ =	sdelay $0x3  }
0x12: {  	_ =	strace s3  }
0x13: {  	s3 =	sld [smem:$0x3FFD];
	_ =	sdelay $0x3  }
0x14: {  	_ =	strace s3  }
0x15: {  	_ =	strace $0x8FFFFFFF  }
0x16: {  	s19 =	sld [smem:$0x3FDB];
	_ =	sdelay $0x1  }
0x17: {  	s20 =	simm.s32 $_scs_section_size  }
0x18: {  	s5 =	simm.s32 $_size__tile_overlayer_lowered;
	s6 =	simm.s32 $_tile_overlayer_lowered  }
0x19: {  	s23 =	simm.s32 $0x1BFF;
	s22 =	sshll.u32 s6, $0x1;
	s3 =	sadd.s32 s20, s19  }
0x1a: {  	s7 =	simm.s32 $0x0;
	s21 =	sshll.u32 s5, $0x1;
	s5 =	sadd.s32 s22, s3  }
0x1b: {  	[timem:s7], [sflag:s23] =	dma.local [hbm:s5], s21  }
0x1c: {  	_ =	swait.ge [sflag:s23], s21  }
0x1d: {  	s4 =	ssub.s32 $0x0, s21;
	[sflag:s23] =	ssyncset.done $0x0  }
0x1e: {  	[sflag:s23] =	ssyncadd.s32 s4;
	_ =	sdelay $0x1  }
0x1f: {  	s24 =	simm.s32 $0x1B8B  }
0x20: {  	_ =	swait.ge [sflag:s24], $0x1  }
0x21: {  	[sflag:s24] =	ssyncset.done $0x0  }
0x22: {  	s26 =	simm.s32 $0x1B8E;
	s25 =	sld [smem:$0x3FFE];
	[sflag:s24] =	ssyncadd.s32 $0xFFFFFFFF  }
0x23: {  	s27 =	simm.s32 $execute0_lowered;
	[smem:$0x3FD2] =	sst s26  }
0x24: {  	s5 =	sshll.u32 s27, $0x1;
	_ =	strace $0x80000046;
	[dreg:$0x1] =	wrdreg $0xFFFFFFFF  }
0x25: {  	s28 =	simm.s32 $_size_execute0_lowered;
	s3 =	sadd.s32 s3, s5;
	[dreg:$0x0] =	wrdreg $0x0  }
0x26: {  	s5 =	sshll.u32 s28, $0x1;
	[dreg:$0x2] =	wrdreg s3  }
0x27: {  	[dreg:$0x3] =	wrdreg s5  }
0x28: {  	[dreg:$0x4] =	wrdreg $0xC0  }
0x29: {  	_ =	task [dreg:s7], $0x5FFFF  }
0x2a: {  	[dreg:$0x1] =	wrdreg $0xFFFFFFFF  }
0x2b: {  	[dreg:$0x0] =	wrdreg $0x60  }
0x2c: {  	[dreg:$0x2] =	wrdreg s25  }
0x2d: {  	[dreg:$0x3] =	wrdreg s17  }
0x2e: {  	[dreg:$0x4] =	wrdreg $0xC  }
0x2f: {  	_ =	task.clear_ibuf [dreg:s7], $0x5FFFF;
	_ =	strace $0x90000046  }
0x30: {  	s29 =	simm.s32 $0xC;
	_ =	strace $0x80000048  }
0x31: {  	_ =	swait.ge [sflag:s29], $0x1  }
0x32: {  	[sflag:s29] =	ssyncadd.s32 $0xFFFFFFFF  }
0x33: {  	_ =	strace $0x90000048  }
0x34: {  	_ =	sfence  }
0x35: {  	s30 =	sld [smem:$0x0];
	_ =	sdelay $0x2  }
0x36: {  	s31 =	sshll.u32 s1, $0xD;
	s1 =	sshrl.u32 s1, $0x2  }
0x37: {  	s3 =	sand.u32 $0x4000, s31;
	s1 =	sadd.s32 s1, s30  }
0x38: {  	s0 =	sor.u32 s3, s0;
	s1 =	sshll.u32 s1, $0x11  }
0x39: {  	s0 =	sor.u32 s1, s0  }
0x3a: {  	s0 =	sadd.s32 $0x8F2B, s0  }
0x3b: {  	[sflag:s0] =	ssyncadd.remote.s32 $0x1  }
0x3c: {  	_ =	sfence.sel $0xFFFF  }
0x3d: {  	[dreg:$0x0] =	wrdreg $0xFFFFFFFF;
	(pc) =	sbr.abs _section_cstart, $3  }
0x3e: {  	[dreg:$0x1] =	wrdreg $0xFFFFFFFF  }
0x3f: {  	_ =	task.clear_ibuf [dreg:s7], $0x2FFFF;
	_ =	strace $0x9FFFFFFF  }
0x40: {  	(tm) =	ssettm $0x7FFFFFFF  }
0x41: {  	_ =	shalt  }
tec
execute0_lowered:
.L_overlay_start_1:
0x0: {  	(tag) =	ssettag $0x1  }
0x1: {  	s1 =	rddreg [dreg:$0x0]  }
0x2: {  	s2 =	rddreg [dreg:$0x1]  }
0x3: {  	s0 =	rddreg [dreg:$0x2];
	_ =	strace $0x80000047;
	s4 =	srdreg.scid  }
0x4: {  	s6 =	simm.s32 $0x2;
	s11 =	simm.s32 $0x0;
	p0 =	por $0x0, $0x0  }
.Ltmp0:
0x5: {  	s7 =	simm.s32 $0x4000;
	s12 =	simm.s32 $0x0;
	(pc) =	sbr.rel .LBB1_1-.Ltmp0, $4  }
0x6: {  	s9 =	simm.s32 $0x0;
	s3 =	sadd.s32 $0x135E00, s1;
	s5 =	sshll.u32 s4, $0x4  }
0x7: {  	s1 =	stileid.u32;
	s4 =	simm.s32 $0x1;
	s5 =	sand.u32 $0x10, s5  }
0x8: {  	s8 =	simm.s32 $0x0;
	[sflag:s4] =	ssyncpa.u1 $0x0;
	s5 =	sor.u32 s1, s5  }
0x9: {  	[sflag:s6] =	ssyncpa.u1 $0x0;
	s6 =	simm.s32 $0x800;
	s10 =	smov.u32 s5  }
.LBB1_7:
0xa: {  	s13 =	sadd.s32 $0x10, s9  }
0xb: {  	s11 =	sadd.s32 $0x20, s10;
	s15 =	smov.u32 s10;
	p2 =	sgt.s32 s13, $0x7F  }
0xc: {  	p1 =	slt.u32 s8, $0x2;
	s15 =	smov.u32 @p2 s11  }
0xd: {  	s8 =	sadd.s32 $0x1, s8;
	s13 =	simm.s32 @p2 $0x0;
	p2 =	sgt.s32 s15, $0x3F  }
0xe: {  	s15 =	smov.u32 @p2 s5;
	p2 =	sne.s32 s8, $0x12  }
.Ltmp1:
0xf: {  	_ = 	snop;
	(pc) =	sbr.rel @!p2 .LBB1_8-.Ltmp1, $4  }
0x10: {  	s14 =	simm.s32 @!p1 $0x2  }
0x11: {  	s12 =	smov.u32 s10;
	_ =	swait.ge @!p1 [sflag:s14], $0x4000  }
0x12: {  	p0 =	por !p0, !p0;
	s11 =	smov.u32 s9;
	[sflag:s14] =	ssyncset.done @!p1 $0x0  }
0x13: {  	s9 =	smov.u32 s13;
	[sflag:s14] =	ssyncadd.s32 @!p1 $0xFFFFC000;
	s10 =	smov.u32 s15  }
.LBB1_1:
0x14: {  	p1 =	sgt.u32 s8, $0xF  }
0x15: {  	s13 =	sxor.u32 @!p1 $0xFFFFFFFF, s8;
	s14 =	sshll.u32 @!p1 s10, $0xE  }
0x16: {  	s15 =	sshll.u32 @!p1 s9, $0x7;
	s13 =	sshll.u32 @!p1 s13, $0xE;
	s14 =	sadd.s32 @!p1 s3, s14  }
0x17: {  	s13 =	sand.u32 @!p1 $0x4000, s13;
	s14 =	sadd.s32 @!p1 s15, s14;
	s15 =	simm.s32 @!p1 $0x0  }
0x18: {  	[tilespmem:s13], [sflag:$0x1] =	stream.linear.gather @!p1 [hbm4b:s14+s15], $0x4000, $0x38;
	[tilespmem:$0x10000] =	vst v63  }
0x19: {  	p1 =	seq.s32 s8, $0x0  }
0x1a: {  	p2 =	seq.s32 @!p1 s8, $0x11  }
0x1b: {  	p1 =	por p1, p2  }
.Ltmp2:
0x1c: {  	_ = 	snop;
	(pc) =	sbr.rel @p1 .LBB1_7-.Ltmp2, $1  }
0x1d: {  	_ =	sdelay $0x3  }
0x1e: {  	s13 =	simm.s32 $0x1;
	_ =	swait.ge [sflag:s4], $0x4000;
	s16 =	sshll.u32 s8, $0xE  }
0x1f: {  	s13 =	simm.s32 @!p0 $0x0;
	[sflag:s4] =	ssyncset.done $0x0;
	s31 =	sand.u32 $0x4000, s16  }
0x20: {  	s16 =	simm.s32 $0x0;
	s14 =	sshll.u32 s13, $0xE;
	[sflag:s4] =	ssyncadd.s32 $0xFFFFC000  }
0x21: {  	s13 =	sor.u32 $0x8040, s14;
	s15 =	sor.u32 $0x40, s14;
	s14 =	sor.u32 $0x8000, s31  }
.LBB1_3:
0x22: {  	v0 =	vmov s15;
	_ =	sdelay $0x3  }
0x23: {  	s18 =	simm.s32 $0x0  }
0x24: {  	v6 =	vld.idx.msk [tilespmem:v0+s18+$0x30 ss:$0x1], $0xffff  }
0x25: {  	v7 =	vld.idx.msk [tilespmem:v0+s18+$0xFFFFFFC0 ss:$0x1], $0xffff  }
0x26: {  	v5 =	vld.idx.msk [tilespmem:v0+s18+$0xFFFFFFD0 ss:$0x1], $0xffff  }
0x27: {  	v4 =	vld.idx.msk [tilespmem:v0+s18+$0xFFFFFFE0 ss:$0x1], $0xffff  }
0x28: {  	v3 =	vld.idx.msk [tilespmem:v0+s18+$0xFFFFFFF0 ss:$0x1], $0xffff  }
0x29: {  	v1 =	vld.idx.msk [tilespmem:v0+s18+$0x0 ss:$0x1], $0xffff  }
0x2a: {  	v2 =	vld.idx.msk [tilespmem:v0+s18+$0x10 ss:$0x1], $0xffff;
	[tilespmem:s13+$0x30] =	vst v6  }
0x2b: {  	s17 =	simm.s32 $0x80;
	s19 =	simm.s32 $0x400;
	[tilespmem:s13+$0xFFFFFFC0] =	vst v7;
	v6 =	vld.idx.msk [tilespmem:v0+s18+$0x20 ss:$0x1], $0xffff;
	s18 =	smov.u32 s13  }
.LBB1_4:
0x2c: {  	p1 =	sne.s32 s19, $0xE00;
	v7 =	vld.idx.msk [tilespmem:v0+s17+$0x30 ss:$0x1], $0xffff;
	[tilespmem:s18+$0xFFFFFFD0] =	vst v5  }
0x2d: {  	v8 =	vld.idx.msk [tilespmem:v0+s17+$0xFFFFFFC0 ss:$0x1], $0xffff;
	[tilespmem:s18+$0xFFFFFFE0] =	vst v4  }
0x2e: {  	v5 =	vld.idx.msk [tilespmem:v0+s17+$0xFFFFFFD0 ss:$0x1], $0xffff;
	[tilespmem:s18+$0xFFFFFFF0] =	vst v3  }
.Ltmp3:
0x2f: {  	v4 =	vld.idx.msk [tilespmem:v0+s17+$0xFFFFFFE0 ss:$0x1], $0xffff;
	[tilespmem:s18+$0x0] =	vst v1;
	(pc) =	sbr.rel @p1 .LBB1_4-.Ltmp3, $4  }
0x30: {  	v3 =	vld.idx.msk [tilespmem:v0+s17+$0xFFFFFFF0 ss:$0x1], $0xffff;
	[tilespmem:s18+$0x10] =	vst v2  }
0x31: {  	v1 =	vld.idx.msk [tilespmem:v0+s17+$0x0 ss:$0x1], $0xffff;
	[tilespmem:s18+$0x20] =	vst v6;
	s18 =	sadd.s32 $0x800, s18  }
0x32: {  	v2 =	vld.idx.msk [tilespmem:v0+s17+$0x10 ss:$0x1], $0xffff;
	[tilespmem:s18+$0x30] =	vst v7  }
0x33: {  	[tilespmem:s18+$0xFFFFFFC0] =	vst v8;
	v6 =	vld.idx.msk [tilespmem:v0+s17+$0x20 ss:$0x1], $0xffff;
	s17 =	sshra.s32 s19, $0x2;
	s19 =	sadd.s32 $0x200, s19  }
0x34: {  	_ =	sdelay $0x2  }
0x35: {  	[tilespmem:s18+$0xFFFFFFD0] =	vst v5  }
0x36: {  	v56 =	vld.idx.msk [tilespmem:v0+s17+$0x30 ss:$0x1], $0xffff;
	[tilespmem:s18+$0xFFFFFFE0] =	vst v4  }
0x37: {  	v57 =	vld.idx.msk [tilespmem:v0+s17+$0xFFFFFFC0 ss:$0x1], $0xffff;
	[tilespmem:s18+$0xFFFFFFF0] =	vst v3  }
0x38: {  	v58 =	vld.idx.msk [tilespmem:v0+s17+$0xFFFFFFD0 ss:$0x1], $0xffff;
	[tilespmem:s18+$0x0] =	vst v1  }
0x39: {  	v59 =	vld.idx.msk [tilespmem:v0+s17+$0xFFFFFFE0 ss:$0x1], $0xffff;
	[tilespmem:s18+$0x10] =	vst v2  }
0x3a: {  	v60 =	vld.idx.msk [tilespmem:v0+s17+$0xFFFFFFF0 ss:$0x1], $0xffff;
	s31 =	sadd.s32 $0x800, s18;
	[tilespmem:s18+$0x20] =	vst v6  }
0x3b: {  	v61 =	vld.idx.msk [tilespmem:v0+s17+$0x0 ss:$0x1], $0xffff;
	[tilespmem:s31+$0x30] =	vst v56  }
0x3c: {  	v62 =	vld.idx.msk [tilespmem:v0+s17+$0x10 ss:$0x1], $0xffff;
	s16 =	sadd.s32 $0x1, s16;
	[tilespmem:s31+$0xFFFFFFC0] =	vst v57  }
0x3d: {  	v63 =	vld.idx.msk [tilespmem:v0+s17+$0x20 ss:$0x1], $0xffff;
	p1 =	sne.s32 s16, $0x10;
	[tilespmem:s31+$0xFFFFFFD0] =	vst v58  }
.Ltmp4:
0x3e: {  	[tilespmem:s31+$0xFFFFFFE0] =	vst v59;
	(pc) =	sbr.rel @p1 .LBB1_3-.Ltmp4, $4  }
0x3f: {  	[tilespmem:s31+$0xFFFFFFF0] =	vst v60  }
0x40: {  	[tilespmem:s31+$0x0] =	vst v61  }
0x41: {  	[tilespmem:s31+$0x10] =	vst v62  }
0x42: {  	s13 =	sadd.s32 $0x80, s13;
	s15 =	sadd.s32 $0x400, s15;
	[tilespmem:s31+$0x20] =	vst v63  }
.Ltmp5:
0x43: {  	(pc) =	sbr.rel .LBB1_7-.Ltmp5, $4  }
0x44: {  	s12 =	sshll.u32 s12, $0xE;
	s11 =	sshll.u32 s11, $0x4  }
0x45: {  	s11 =	sand.u32 $0x7F0, s11;
	s12 =	sadd.s32 s2, s12  }
0x46: {  	s11 =	sadd.s32 s11, s12  }
0x47: {  	[hbm4b:s11+s6] =	stream.strided.scatter [tilespmem:s14], [sflag:$0x2], $0x4000, s7, s6, $0x38;
	[tilespmem:$0x10000] =	vst v63  }
.LBB1_8:
0x48: {  	_ =	sfence.sel $0x180000  }
0x49: {  	s2 =	simm.s32 $0x1;
	[bflag:$0x0] =	sbarrier.arrive $0xFFFF  }
0x4a: {  	s31 =	simm.s32 $0x2;
	[sflag:s2] =	ssyncpa.u1 $0x1  }
0x4b: {  	[sflag:s31] =	ssyncpa.u1 $0x1  }
0x4c: {  	p0 =	sne.s32 s1, $0x0;
	_ =	strace $0x90000047  }
0x4d: {  	s0 =	sadd.s32 @!p0 $0x100000, s0;
	[bflag:$0x2] =	sbarrier.arrive $0xFFFF  }
0x4e: {  	[sflag:s0] =	ssyncadd.tile.s32 @!p0 $0x1;
	_ =	shalt  }
.Lfunc_end1:
_tile_overlayer_lowered:
.L_overlay_start_2:
0x4f: {  	(tag) =	ssettag $0x2  }
0x50: {  	s0 =	rddreg [dreg:$0x0];
	s2 =	stileid.u32  }
0x51: {  	s1 =	rddreg [dreg:$0x1];
	p0 =	sne.s32 s2, $0x0  }
0x52: {  	s3 =	rddreg [dreg:$0x2];
	[bflag:$0x3] =	sbarrier.arrive $0xFFFF;
	s2 =	simm.s32 @!p0 $0x1C01  }
0x53: {  	[timem:s3], [sflag:s2] =	dma.local @!p0 [hbm:s0], s1  }
0x54: {  	s0 =	simm.s32 @!p0 $0x1  }
0x55: {  	_ =	swait.ge @!p0 [sflag:s0], s1  }
0x56: {  	s1 =	ssub.s32 @!p0 $0x0, s1;
	[sflag:s0] =	ssyncset.done @!p0 $0x0  }
0x57: {  	[sflag:s0] =	ssyncadd.s32 @!p0 s1  }
0x58: {  	[bflag:$0x3] =	sbarrier.arrive $0xFFFF  }
0x59: {  	_ =	shalt  }

// kernel: sparse-core-data-format-call.4.cloned.1.call-start
scs
called_computation.4_lowered:
.L_overlay_start_0:
0x0: {  	s2 =	sld [smem:$0x3FD9]  }
0x1: {  	s3 =	sld [smem:$0x3FFE];
	_ =	sdelay $0x1  }
0x2: {  	s1 =	srdreg.scid  }
0x3: {  	s0 =	sand.u32 $0x1, s1  }
0x4: {  	s16 =	sshll.u32 s0, $0xA;
	s2 =	sadd.s32 s3, s2  }
0x5: {  	s2 =	sadd.s32 s2, s16  }
0x6: {  	[smem:$0x3FAD] =	sst s2  }
0x7: {  	_ = 	snop  }
0x8: {  	s2 =	sld [smem:$0x3FD0];
	_ =	sdelay $0x2  }
0x9: {  	s17 =	simm.s32 $0xE;
	s4 =	simm.s32 $0x10  }
0xa: {  	[smem:s4], [sflag:s17] =	dma.local [hbm:s2], $0x1  }
0xb: {  	_ =	swait.eq [sflag:s17], $0x1  }
0xc: {  	[sflag:s17] =	ssyncset.done $0x0  }
0xd: {  	[sflag:s17] =	ssyncadd.s32 $0xFFFFFFFF  }
0xe: {  	s18 =	sld [smem:$0x10];
	(tm) =	ssettm $0x1  }
0xf: {  	s19 =	sld [smem:$0x3FFB];
	_ =	sdelay $0x3  }
0x10: {  	_ =	strace s19  }
0x11: {  	s2 =	sld [smem:$0x3FFC];
	_ =	sdelay $0x3  }
0x12: {  	_ =	strace s2  }
0x13: {  	s2 =	sld [smem:$0x3FFD];
	_ =	sdelay $0x3  }
0x14: {  	_ =	strace s2  }
0x15: {  	_ =	strace $0x8FFFFFFF  }
0x16: {  	s20 =	sld [smem:$0x3FDB];
	_ =	sdelay $0x1  }
0x17: {  	s21 =	simm.s32 $_scs_section_size  }
0x18: {  	s5 =	simm.s32 $_size__tile_overlayer_lowered;
	s6 =	simm.s32 $_tile_overlayer_lowered  }
0x19: {  	s7 =	simm.s32 $0x1BFF;
	s22 =	sshll.u32 s6, $0x1;
	s4 =	sadd.s32 s21, s20  }
0x1a: {  	s23 =	simm.s32 $0x0;
	s5 =	sshll.u32 s5, $0x1;
	s6 =	sadd.s32 s22, s4  }
0x1b: {  	[timem:s23], [sflag:s7] =	dma.local [hbm:s6], s5  }
0x1c: {  	_ =	swait.ge [sflag:s7], s5  }
0x1d: {  	s5 =	ssub.s32 $0x0, s5;
	[sflag:s7] =	ssyncset.done $0x0  }
0x1e: {  	[sflag:s7] =	ssyncadd.s32 s5;
	_ =	sdelay $0x1  }
0x1f: {  	s24 =	simm.s32 $0x1B8B  }
0x20: {  	_ =	swait.ge [sflag:s24], $0x1  }
0x21: {  	[sflag:s24] =	ssyncset.done $0x0  }
0x22: {  	[sflag:s24] =	ssyncadd.s32 $0xFFFFFFFF  }
0x23: {  	s5 =	sld [smem:$0x0]  }
0x24: {  	s6 =	sand.u32 $0xFFFFFFFE, s1  }
0x25: {  	p0 =	sne.s32 s1, s6  }
0x26: {  	s6 =	sshll.u32 @p0 s6, $0xE  }
0x27: {  	s6 =	sadd.s32 @p0 $0x11B8D, s6;
	s7 =	sshll.u32 @p0 s5, $0x11  }
0x28: {  	s6 =	sor.u32 @p0 s7, s6  }
0x29: {  	[sflag:s6] =	ssyncadd.remote.s32 @p0 $0x1;
	_ =	sdelay $0x1  }
0x2a: {  	s6 =	simm.s32 @p0 $0x1B8D  }
0x2b: {  	_ =	swait.eq @p0 [sflag:s6], $0x1  }
0x2c: {  	[sflag:s6] =	ssyncadd.s32 @p0 $0xFFFFFFFF  }
0x2d: {  	s7 =	sshll.u32 @!p0 s1, $0xE  }
0x2e: {  	s7 =	sor.u32 @!p0 $0x4000, s7;
	s6 =	simm.s32 @!p0 $0x1B8D  }
0x2f: {  	s5 =	sshll.u32 @!p0 s5, $0x11;
	s7 =	sadd.s32 @!p0 $0x11B8D, s7;
	_ =	swait.eq @!p0 [sflag:s6], $0x1  }
0x30: {  	s5 =	sor.u32 @!p0 s5, s7;
	[sflag:s6] =	ssyncadd.s32 @!p0 $0xFFFFFFFF  }
0x31: {  	s26 =	simm.s32 $0x1B8E;
	s25 =	sld [smem:$0x3FFE];
	[sflag:s5] =	ssyncadd.remote.s32 @!p0 $0x1  }
0x32: {  	s27 =	simm.s32 $execute0_lowered;
	[smem:$0x3FD2] =	sst s26  }
0x33: {  	s6 =	sshll.u32 s27, $0x1;
	_ =	strace $0x80000049;
	[dreg:$0x1] =	wrdreg $0xFFFFFFFF  }
0x34: {  	s28 =	simm.s32 $_size_execute0_lowered;
	s4 =	sadd.s32 s4, s6;
	[dreg:$0x0] =	wrdreg $0x0  }
0x35: {  	s6 =	sshll.u32 s28, $0x1;
	[dreg:$0x2] =	wrdreg s4  }
0x36: {  	[dreg:$0x3] =	wrdreg s6  }
0x37: {  	[dreg:$0x4] =	wrdreg $0xC0  }
0x38: {  	_ =	task [dreg:s23], $0x5FFFF  }
0x39: {  	[dreg:$0x1] =	wrdreg $0xFFFFFFFF  }
0x3a: {  	[dreg:$0x0] =	wrdreg $0x60  }
0x3b: {  	[dreg:$0x2] =	wrdreg s25  }
0x3c: {  	[dreg:$0x3] =	wrdreg s18  }
0x3d: {  	[dreg:$0x4] =	wrdreg $0xD  }
0x3e: {  	_ =	task.clear_ibuf [dreg:s23], $0x5FFFF;
	_ =	strace $0x90000049  }
0x3f: {  	s29 =	simm.s32 $0xD;
	_ =	strace $0x8000004B  }
0x40: {  	_ =	swait.ge [sflag:s29], $0x1  }
0x41: {  	[sflag:s29] =	ssyncadd.s32 $0xFFFFFFFF  }
0x42: {  	_ =	strace $0x9000004B  }
0x43: {  	_ =	sfence  }
0x44: {  	s30 =	sld [smem:$0x0];
	_ =	sdelay $0x2  }
0x45: {  	s31 =	sshll.u32 s1, $0xD;
	s1 =	sshrl.u32 s1, $0x2  }
0x46: {  	s4 =	sand.u32 $0x4000, s31;
	s1 =	sadd.s32 s1, s30  }
0x47: {  	s0 =	sor.u32 s4, s0;
	s1 =	sshll.u32 s1, $0x11  }
0x48: {  	s0 =	sor.u32 s1, s0  }
0x49: {  	s0 =	sadd.s32 $0x8F2B, s0  }
0x4a: {  	[sflag:s0] =	ssyncadd.remote.s32 $0x1  }
0x4b: {  	_ =	sfence.sel $0xFFFF  }
0x4c: {  	[dreg:$0x0] =	wrdreg $0xFFFFFFFF;
	(pc) =	sbr.abs _section_cstart, $3  }
0x4d: {  	[dreg:$0x1] =	wrdreg $0xFFFFFFFF  }
0x4e: {  	_ =	task.clear_ibuf [dreg:s23], $0x2FFFF;
	_ =	strace $0x9FFFFFFF  }
0x4f: {  	(tm) =	ssettm $0x7FFFFFFF  }
tec
execute0_lowered:
.L_overlay_start_1:
0x0: {  	(tag) =	ssettag $0x1  }
0x1: {  	s1 =	rddreg [dreg:$0x0]  }
0x2: {  	s2 =	rddreg [dreg:$0x1]  }
0x3: {  	s0 =	rddreg [dreg:$0x2];
	_ =	strace $0x8000004A;
	s4 =	srdreg.scid  }
0x4: {  	s6 =	simm.s32 $0x2;
	s11 =	simm.s32 $0x0;
	p0 =	por $0x0, $0x0  }
.Ltmp0:
0x5: {  	s7 =	simm.s32 $0x4000;
	s12 =	simm.s32 $0x0;
	(pc) =	sbr.rel .LBB1_1-.Ltmp0, $4  }
0x6: {  	s9 =	simm.s32 $0x0;
	s3 =	sadd.s32 $0x235E00, s1;
	s5 =	sshll.u32 s4, $0x4  }
0x7: {  	s1 =	stileid.u32;
	s4 =	simm.s32 $0x1;
	s5 =	sand.u32 $0x10, s5  }
0x8: {  	s8 =	simm.s32 $0x0;
	[sflag:s4] =	ssyncpa.u1 $0x0;
	s5 =	sor.u32 s1, s5  }
0x9: {  	[sflag:s6] =	ssyncpa.u1 $0x0;
	s6 =	simm.s32 $0x800;
	s10 =	smov.u32 s5  }
.LBB1_7:
0xa: {  	s13 =	sadd.s32 $0x10, s9  }
0xb: {  	s11 =	sadd.s32 $0x20, s10;
	s15 =	smov.u32 s10;
	p2 =	sgt.s32 s13, $0x7F  }
0xc: {  	p1 =	slt.u32 s8, $0x2;
	s15 =	smov.u32 @p2 s11  }
0xd: {  	s8 =	sadd.s32 $0x1, s8;
	s13 =	simm.s32 @p2 $0x0;
	p2 =	sgt.s32 s15, $0x3F  }
0xe: {  	s15 =	smov.u32 @p2 s5;
	p2 =	sne.s32 s8, $0x12  }
.Ltmp1:
0xf: {  	_ = 	snop;
	(pc) =	sbr.rel @!p2 .LBB1_8-.Ltmp1, $4  }
0x10: {  	s14 =	simm.s32 @!p1 $0x2  }
0x11: {  	s12 =	smov.u32 s10;
	_ =	swait.ge @!p1 [sflag:s14], $0x4000  }
0x12: {  	p0 =	por !p0, !p0;
	s11 =	smov.u32 s9;
	[sflag:s14] =	ssyncset.done @!p1 $0x0  }
0x13: {  	s9 =	smov.u32 s13;
	[sflag:s14] =	ssyncadd.s32 @!p1 $0xFFFFC000;
	s10 =	smov.u32 s15  }
.LBB1_1:
0x14: {  	p1 =	sgt.u32 s8, $0xF  }
0x15: {  	s13 =	sxor.u32 @!p1 $0xFFFFFFFF, s8;
	s14 =	sshll.u32 @!p1 s10, $0xE  }
0x16: {  	s15 =	sshll.u32 @!p1 s9, $0x7;
	s13 =	sshll.u32 @!p1 s13, $0xE;
	s14 =	sadd.s32 @!p1 s3, s14  }
0x17: {  	s13 =	sand.u32 @!p1 $0x4000, s13;
	s14 =	sadd.s32 @!p1 s15, s14;
	s15 =	simm.s32 @!p1 $0x0  }
0x18: {  	[tilespmem:s13], [sflag:$0x1] =	stream.linear.gather @!p1 [hbm4b:s14+s15], $0x4000, $0x38;
	[tilespmem:$0x10000] =	vst v63  }
0x19: {  	p1 =	seq.s32 s8, $0x0  }
0x1a: {  	p2 =	seq.s32 @!p1 s8, $0x11  }
0x1b: {  	p1 =	por p1, p2  }
.Ltmp2:
0x1c: {  	_ = 	snop;
	(pc) =	sbr.rel @p1 .LBB1_7-.Ltmp2, $1  }
0x1d: {  	_ =	sdelay $0x3  }
0x1e: {  	s13 =	simm.s32 $0x1;
	_ =	swait.ge [sflag:s4], $0x4000;
	s16 =	sshll.u32 s8, $0xE  }
0x1f: {  	s13 =	simm.s32 @!p0 $0x0;
	[sflag:s4] =	ssyncset.done $0x0;
	s31 =	sand.u32 $0x4000, s16  }
0x20: {  	s16 =	simm.s32 $0x0;
	s14 =	sshll.u32 s13, $0xE;
	[sflag:s4] =	ssyncadd.s32 $0xFFFFC000  }
0x21: {  	s13 =	sor.u32 $0x8040, s14;
	s15 =	sor.u32 $0x40, s14;
	s14 =	sor.u32 $0x8000, s31  }
.LBB1_3:
0x22: {  	v0 =	vmov s15;
	_ =	sdelay $0x3  }
0x23: {  	s18 =	simm.s32 $0x0  }
0x24: {  	v6 =	vld.idx.msk [tilespmem:v0+s18+$0x30 ss:$0x1], $0xffff  }
0x25: {  	v7 =	vld.idx.msk [tilespmem:v0+s18+$0xFFFFFFC0 ss:$0x1], $0xffff  }
0x26: {  	v5 =	vld.idx.msk [tilespmem:v0+s18+$0xFFFFFFD0 ss:$0x1], $0xffff  }
0x27: {  	v4 =	vld.idx.msk [tilespmem:v0+s18+$0xFFFFFFE0 ss:$0x1], $0xffff  }
0x28: {  	v3 =	vld.idx.msk [tilespmem:v0+s18+$0xFFFFFFF0 ss:$0x1], $0xffff  }
0x29: {  	v1 =	vld.idx.msk [tilespmem:v0+s18+$0x0 ss:$0x1], $0xffff  }
0x2a: {  	v2 =	vld.idx.msk [tilespmem:v0+s18+$0x10 ss:$0x1], $0xffff;
	[tilespmem:s13+$0x30] =	vst v6  }
0x2b: {  	s17 =	simm.s32 $0x80;
	s19 =	simm.s32 $0x400;
	[tilespmem:s13+$0xFFFFFFC0] =	vst v7;
	v6 =	vld.idx.msk [tilespmem:v0+s18+$0x20 ss:$0x1], $0xffff;
	s18 =	smov.u32 s13  }
.LBB1_4:
0x2c: {  	p1 =	sne.s32 s19, $0xE00;
	v7 =	vld.idx.msk [tilespmem:v0+s17+$0x30 ss:$0x1], $0xffff;
	[tilespmem:s18+$0xFFFFFFD0] =	vst v5  }
0x2d: {  	v8 =	vld.idx.msk [tilespmem:v0+s17+$0xFFFFFFC0 ss:$0x1], $0xffff;
	[tilespmem:s18+$0xFFFFFFE0] =	vst v4  }
0x2e: {  	v5 =	vld.idx.msk [tilespmem:v0+s17+$0xFFFFFFD0 ss:$0x1], $0xffff;
	[tilespmem:s18+$0xFFFFFFF0] =	vst v3  }
.Ltmp3:
0x2f: {  	v4 =	vld.idx.msk [tilespmem:v0+s17+$0xFFFFFFE0 ss:$0x1], $0xffff;
	[tilespmem:s18+$0x0] =	vst v1;
	(pc) =	sbr.rel @p1 .LBB1_4-.Ltmp3, $4  }
0x30: {  	v3 =	vld.idx.msk [tilespmem:v0+s17+$0xFFFFFFF0 ss:$0x1], $0xffff;
	[tilespmem:s18+$0x10] =	vst v2  }
0x31: {  	v1 =	vld.idx.msk [tilespmem:v0+s17+$0x0 ss:$0x1], $0xffff;
	[tilespmem:s18+$0x20] =	vst v6;
	s18 =	sadd.s32 $0x800, s18  }
0x32: {  	v2 =	vld.idx.msk [tilespmem:v0+s17+$0x10 ss:$0x1], $0xffff;
	[tilespmem:s18+$0x30] =	vst v7  }
0x33: {  	[tilespmem:s18+$0xFFFFFFC0] =	vst v8;
	v6 =	vld.idx.msk [tilespmem:v0+s17+$0x20 ss:$0x1], $0xffff;
	s17 =	sshra.s32 s19, $0x2;
	s19 =	sadd.s32 $0x200, s19  }
0x34: {  	_ =	sdelay $0x2  }
0x35: {  	[tilespmem:s18+$0xFFFFFFD0] =	vst v5  }
0x36: {  	v56 =	vld.idx.msk [tilespmem:v0+s17+$0x30 ss:$0x1], $0xffff;
	[tilespmem:s18+$0xFFFFFFE0] =	vst v4  }
0x37: {  	v57 =	vld.idx.msk [tilespmem:v0+s17+$0xFFFFFFC0 ss:$0x1], $0xffff;
	[tilespmem:s18+$0xFFFFFFF0] =	vst v3  }
0x38: {  	v58 =	vld.idx.msk [tilespmem:v0+s17+$0xFFFFFFD0 ss:$0x1], $0xffff;
	[tilespmem:s18+$0x0] =	vst v1  }
0x39: {  	v59 =	vld.idx.msk [tilespmem:v0+s17+$0xFFFFFFE0 ss:$0x1], $0xffff;
	[tilespmem:s18+$0x10] =	vst v2  }
0x3a: {  	v60 =	vld.idx.msk [tilespmem:v0+s17+$0xFFFFFFF0 ss:$0x1], $0xffff;
	s31 =	sadd.s32 $0x800, s18;
	[tilespmem:s18+$0x20] =	vst v6  }
0x3b: {  	v61 =	vld.idx.msk [tilespmem:v0+s17+$0x0 ss:$0x1], $0xffff;
	[tilespmem:s31+$0x30] =	vst v56  }
0x3c: {  	v62 =	vld.idx.msk [tilespmem:v0+s17+$0x10 ss:$0x1], $0xffff;
	s16 =	sadd.s32 $0x1, s16;
	[tilespmem:s31+$0xFFFFFFC0] =	vst v57  }
0x3d: {  	v63 =	vld.idx.msk [tilespmem:v0+s17+$0x20 ss:$0x1], $0xffff;
	p1 =	sne.s32 s16, $0x10;
	[tilespmem:s31+$0xFFFFFFD0] =	vst v58  }
.Ltmp4:
0x3e: {  	[tilespmem:s31+$0xFFFFFFE0] =	vst v59;
	(pc) =	sbr.rel @p1 .LBB1_3-.Ltmp4, $4  }
0x3f: {  	[tilespmem:s31+$0xFFFFFFF0] =	vst v60  }
0x40: {  	[tilespmem:s31+$0x0] =	vst v61  }
0x41: {  	[tilespmem:s31+$0x10] =	vst v62  }
0x42: {  	s13 =	sadd.s32 $0x80, s13;
	s15 =	sadd.s32 $0x400, s15;
	[tilespmem:s31+$0x20] =	vst v63  }
.Ltmp5:
0x43: {  	(pc) =	sbr.rel .LBB1_7-.Ltmp5, $4  }
0x44: {  	s12 =	sshll.u32 s12, $0xE;
	s11 =	sshll.u32 s11, $0x4  }
0x45: {  	s11 =	sand.u32 $0x7F0, s11;
	s12 =	sadd.s32 s2, s12  }
0x46: {  	s11 =	sadd.s32 s11, s12  }
0x47: {  	[hbm4b:s11+s6] =	stream.strided.scatter [tilespmem:s14], [sflag:$0x2], $0x4000, s7, s6, $0x38;
	[tilespmem:$0x10000] =	vst v63  }
.LBB1_8:
0x48: {  	_ =	sfence.sel $0x180000  }
0x49: {  	s2 =	simm.s32 $0x1;
	[bflag:$0x0] =	sbarrier.arrive $0xFFFF  }
0x4a: {  	s31 =	simm.s32 $0x2;
	[sflag:s2] =	ssyncpa.u1 $0x1  }
0x4b: {  	[sflag:s31] =	ssyncpa.u1 $0x1  }
0x4c: {  	p0 =	sne.s32 s1, $0x0;
	_ =	strace $0x9000004A  }
0x4d: {  	s0 =	sadd.s32 @!p0 $0x100000, s0;
	[bflag:$0x2] =	sbarrier.arrive $0xFFFF  }
0x4e: {  	[sflag:s0] =	ssyncadd.tile.s32 @!p0 $0x1;
	_ =	shalt  }
.Lfunc_end1:
_tile_overlayer_lowered:
.L_overlay_start_2:
0x4f: {  	(tag) =	ssettag $0x2  }
0x50: {  	s0 =	rddreg [dreg:$0x0];
	s2 =	stileid.u32  }
0x51: {  	s1 =	rddreg [dreg:$0x1];
	p0 =	sne.s32 s2, $0x0  }
0x52: {  	s3 =	rddreg [dreg:$0x2];
	[bflag:$0x3] =	sbarrier.arrive $0xFFFF;
	s2 =	simm.s32 @!p0 $0x1C01  }
0x53: {  	[timem:s3], [sflag:s2] =	dma.local @!p0 [hbm:s0], s1  }
0x54: {  	s0 =	simm.s32 @!p0 $0x1  }
0x55: {  	_ =	swait.ge @!p0 [sflag:s0], s1  }
0x56: {  	s1 =	ssub.s32 @!p0 $0x0, s1;
	[sflag:s0] =	ssyncset.done @!p0 $0x0  }
0x57: {  	[sflag:s0] =	ssyncadd.s32 @!p0 s1  }
0x58: {  	[bflag:$0x3] =	sbarrier.arrive $0xFFFF  }
0x59: {  	_ =	shalt  }

// kernel: sparse-core-data-format-call.cloned.1.call-start
scs
called_computation_lowered:
.L_overlay_start_0:
0x0: {  	s2 =	sld [smem:$0x3FD9]  }
0x1: {  	s3 =	sld [smem:$0x3FFE];
	_ =	sdelay $0x1  }
0x2: {  	s1 =	srdreg.scid  }
0x3: {  	s0 =	sand.u32 $0x1, s1  }
0x4: {  	s16 =	sshll.u32 s0, $0xA;
	s2 =	sadd.s32 s3, s2  }
0x5: {  	s2 =	sadd.s32 s2, s16  }
0x6: {  	[smem:$0x3FAD] =	sst s2  }
0x7: {  	_ = 	snop  }
0x8: {  	s2 =	sld [smem:$0x3FD0];
	_ =	sdelay $0x2  }
0x9: {  	s17 =	simm.s32 $0xE;
	s4 =	simm.s32 $0x10  }
0xa: {  	[smem:s4], [sflag:s17] =	dma.local [hbm:s2], $0x1  }
0xb: {  	_ =	swait.eq [sflag:s17], $0x1  }
0xc: {  	[sflag:s17] =	ssyncset.done $0x0  }
0xd: {  	[sflag:s17] =	ssyncadd.s32 $0xFFFFFFFF  }
0xe: {  	s18 =	sld [smem:$0x15];
	(tm) =	ssettm $0x1  }
0xf: {  	s19 =	sld [smem:$0x3FFB];
	_ =	sdelay $0x3  }
0x10: {  	_ =	strace s19  }
0x11: {  	s2 =	sld [smem:$0x3FFC];
	_ =	sdelay $0x3  }
0x12: {  	_ =	strace s2  }
0x13: {  	s2 =	sld [smem:$0x3FFD];
	_ =	sdelay $0x3  }
0x14: {  	_ =	strace s2  }
0x15: {  	_ =	strace $0x8FFFFFFF  }
0x16: {  	s20 =	sld [smem:$0x3FDB];
	_ =	sdelay $0x1  }
0x17: {  	s21 =	simm.s32 $_scs_section_size  }
0x18: {  	s5 =	simm.s32 $_size__tile_overlayer_lowered;
	s6 =	simm.s32 $_tile_overlayer_lowered  }
0x19: {  	s7 =	simm.s32 $0x1BFF;
	s22 =	sshll.u32 s6, $0x1;
	s4 =	sadd.s32 s21, s20  }
0x1a: {  	s23 =	simm.s32 $0x0;
	s5 =	sshll.u32 s5, $0x1;
	s6 =	sadd.s32 s22, s4  }
0x1b: {  	[timem:s23], [sflag:s7] =	dma.local [hbm:s6], s5  }
0x1c: {  	_ =	swait.ge [sflag:s7], s5  }
0x1d: {  	s5 =	ssub.s32 $0x0, s5;
	[sflag:s7] =	ssyncset.done $0x0  }
0x1e: {  	[sflag:s7] =	ssyncadd.s32 s5;
	_ =	sdelay $0x1  }
0x1f: {  	s24 =	simm.s32 $0x1B8B  }
0x20: {  	_ =	swait.ge [sflag:s24], $0x1  }
0x21: {  	[sflag:s24] =	ssyncset.done $0x0  }
0x22: {  	[sflag:s24] =	ssyncadd.s32 $0xFFFFFFFF  }
0x23: {  	s5 =	sld [smem:$0x0]  }
0x24: {  	s6 =	sand.u32 $0xFFFFFFFE, s1  }
0x25: {  	p0 =	sne.s32 s1, s6  }
0x26: {  	s6 =	sshll.u32 @p0 s6, $0xE  }
0x27: {  	s6 =	sadd.s32 @p0 $0x11B8D, s6;
	s7 =	sshll.u32 @p0 s5, $0x11  }
0x28: {  	s6 =	sor.u32 @p0 s7, s6  }
0x29: {  	[sflag:s6] =	ssyncadd.remote.s32 @p0 $0x1;
	_ =	sdelay $0x1  }
0x2a: {  	s6 =	simm.s32 @p0 $0x1B8D  }
0x2b: {  	_ =	swait.eq @p0 [sflag:s6], $0x1  }
0x2c: {  	[sflag:s6] =	ssyncadd.s32 @p0 $0xFFFFFFFF  }
0x2d: {  	s7 =	sshll.u32 @!p0 s1, $0xE  }
0x2e: {  	s7 =	sor.u32 @!p0 $0x4000, s7;
	s6 =	simm.s32 @!p0 $0x1B8D  }
0x2f: {  	s5 =	sshll.u32 @!p0 s5, $0x11;
	s7 =	sadd.s32 @!p0 $0x11B8D, s7;
	_ =	swait.eq @!p0 [sflag:s6], $0x1  }
0x30: {  	s5 =	sor.u32 @!p0 s5, s7;
	[sflag:s6] =	ssyncadd.s32 @!p0 $0xFFFFFFFF  }
0x31: {  	s26 =	simm.s32 $0x1B8E;
	s25 =	sld [smem:$0x3FFE];
	[sflag:s5] =	ssyncadd.remote.s32 @!p0 $0x1  }
0x32: {  	s27 =	simm.s32 $execute0_lowered;
	[smem:$0x3FD2] =	sst s26  }
0x33: {  	s6 =	sshll.u32 s27, $0x1;
	_ =	strace $0x80000052;
	[dreg:$0x1] =	wrdreg $0xFFFFFFFF  }
0x34: {  	s28 =	simm.s32 $_size_execute0_lowered;
	s4 =	sadd.s32 s4, s6;
	[dreg:$0x0] =	wrdreg $0x0  }
0x35: {  	s6 =	sshll.u32 s28, $0x1;
	[dreg:$0x2] =	wrdreg s4  }
0x36: {  	[dreg:$0x3] =	wrdreg s6  }
0x37: {  	[dreg:$0x4] =	wrdreg $0xC0  }
0x38: {  	_ =	task [dreg:s23], $0x5FFFF  }
0x39: {  	[dreg:$0x1] =	wrdreg $0xFFFFFFFF  }
0x3a: {  	[dreg:$0x0] =	wrdreg $0x60  }
0x3b: {  	[dreg:$0x2] =	wrdreg s25  }
0x3c: {  	[dreg:$0x3] =	wrdreg s18  }
0x3d: {  	[dreg:$0x4] =	wrdreg $0x9  }
0x3e: {  	_ =	task.clear_ibuf [dreg:s23], $0x5FFFF;
	_ =	strace $0x90000052  }
0x3f: {  	s29 =	simm.s32 $0x9;
	_ =	strace $0x80000054  }
0x40: {  	_ =	swait.ge [sflag:s29], $0x1  }
0x41: {  	[sflag:s29] =	ssyncadd.s32 $0xFFFFFFFF  }
0x42: {  	_ =	strace $0x90000054  }
0x43: {  	_ =	sfence  }
0x44: {  	s30 =	sld [smem:$0x0];
	_ =	sdelay $0x2  }
0x45: {  	s31 =	sshll.u32 s1, $0xD;
	s1 =	sshrl.u32 s1, $0x2  }
0x46: {  	s4 =	sand.u32 $0x4000, s31;
	s1 =	sadd.s32 s1, s30  }
0x47: {  	s0 =	sor.u32 s4, s0;
	s1 =	sshll.u32 s1, $0x11  }
0x48: {  	s0 =	sor.u32 s1, s0  }
0x49: {  	s0 =	sadd.s32 $0x8F2B, s0  }
0x4a: {  	[sflag:s0] =	ssyncadd.remote.s32 $0x1  }
0x4b: {  	_ =	sfence.sel $0xFFFF  }
0x4c: {  	[dreg:$0x0] =	wrdreg $0xFFFFFFFF;
	(pc) =	sbr.abs _section_cstart, $3  }
0x4d: {  	[dreg:$0x1] =	wrdreg $0xFFFFFFFF  }
0x4e: {  	_ =	task.clear_ibuf [dreg:s23], $0x2FFFF;
	_ =	strace $0x9FFFFFFF  }
0x4f: {  	(tm) =	ssettm $0x7FFFFFFF  }
tec
execute0_lowered:
.L_overlay_start_1:
0x0: {  	(tag) =	ssettag $0x1  }
0x1: {  	s1 =	rddreg [dreg:$0x0]  }
0x2: {  	s2 =	rddreg [dreg:$0x1]  }
0x3: {  	s0 =	rddreg [dreg:$0x2];
	_ =	strace $0x80000053;
	s4 =	srdreg.scid  }
0x4: {  	s6 =	simm.s32 $0x2;
	s11 =	simm.s32 $0x0;
	p0 =	por $0x0, $0x0  }
.Ltmp0:
0x5: {  	s7 =	simm.s32 $0x4000;
	s12 =	simm.s32 $0x0;
	(pc) =	sbr.rel .LBB1_1-.Ltmp0, $4  }
0x6: {  	s9 =	simm.s32 $0x0;
	s3 =	sadd.s32 $0x535E00, s1;
	s5 =	sshll.u32 s4, $0x4  }
0x7: {  	s1 =	stileid.u32;
	s4 =	simm.s32 $0x1;
	s5 =	sand.u32 $0x10, s5  }
0x8: {  	s8 =	simm.s32 $0x0;
	[sflag:s4] =	ssyncpa.u1 $0x0;
	s5 =	sor.u32 s1, s5  }
0x9: {  	[sflag:s6] =	ssyncpa.u1 $0x0;
	s6 =	simm.s32 $0x800;
	s10 =	smov.u32 s5  }
.LBB1_7:
0xa: {  	s13 =	sadd.s32 $0x10, s9  }
0xb: {  	s11 =	sadd.s32 $0x20, s10;
	s15 =	smov.u32 s10;
	p2 =	sgt.s32 s13, $0x7F  }
0xc: {  	p1 =	slt.u32 s8, $0x2;
	s15 =	smov.u32 @p2 s11  }
0xd: {  	s8 =	sadd.s32 $0x1, s8;
	s13 =	simm.s32 @p2 $0x0;
	p2 =	sgt.s32 s15, $0x3F  }
0xe: {  	s15 =	smov.u32 @p2 s5;
	p2 =	sne.s32 s8, $0x12  }
.Ltmp1:
0xf: {  	_ = 	snop;
	(pc) =	sbr.rel @!p2 .LBB1_8-.Ltmp1, $4  }
0x10: {  	s14 =	simm.s32 @!p1 $0x2  }
0x11: {  	s12 =	smov.u32 s10;
	_ =	swait.ge @!p1 [sflag:s14], $0x4000  }
0x12: {  	p0 =	por !p0, !p0;
	s11 =	smov.u32 s9;
	[sflag:s14] =	ssyncset.done @!p1 $0x0  }
0x13: {  	s9 =	smov.u32 s13;
	[sflag:s14] =	ssyncadd.s32 @!p1 $0xFFFFC000;
	s10 =	smov.u32 s15  }
.LBB1_1:
0x14: {  	p1 =	sgt.u32 s8, $0xF  }
0x15: {  	s13 =	sxor.u32 @!p1 $0xFFFFFFFF, s8;
	s14 =	sshll.u32 @!p1 s10, $0xE  }
0x16: {  	s15 =	sshll.u32 @!p1 s9, $0x7;
	s13 =	sshll.u32 @!p1 s13, $0xE;
	s14 =	sadd.s32 @!p1 s3, s14  }
0x17: {  	s13 =	sand.u32 @!p1 $0x4000, s13;
	s14 =	sadd.s32 @!p1 s15, s14;
	s15 =	simm.s32 @!p1 $0x0  }
0x18: {  	[tilespmem:s13], [sflag:$0x1] =	stream.linear.gather @!p1 [hbm4b:s14+s15], $0x4000, $0x38;
	[tilespmem:$0x10000] =	vst v63  }
0x19: {  	p1 =	seq.s32 s8, $0x0  }
0x1a: {  	p2 =	seq.s32 @!p1 s8, $0x11  }
0x1b: {  	p1 =	por p1, p2  }
.Ltmp2:
0x1c: {  	_ = 	snop;
	(pc) =	sbr.rel @p1 .LBB1_7-.Ltmp2, $1  }
0x1d: {  	_ =	sdelay $0x3  }
0x1e: {  	s13 =	simm.s32 $0x1;
	_ =	swait.ge [sflag:s4], $0x4000;
	s16 =	sshll.u32 s8, $0xE  }
0x1f: {  	s13 =	simm.s32 @!p0 $0x0;
	[sflag:s4] =	ssyncset.done $0x0;
	s31 =	sand.u32 $0x4000, s16  }
0x20: {  	s16 =	simm.s32 $0x0;
	s14 =	sshll.u32 s13, $0xE;
	[sflag:s4] =	ssyncadd.s32 $0xFFFFC000  }
0x21: {  	s13 =	sor.u32 $0x8040, s14;
	s15 =	sor.u32 $0x40, s14;
	s14 =	sor.u32 $0x8000, s31  }
.LBB1_3:
0x22: {  	v0 =	vmov s15;
	_ =	sdelay $0x3  }
0x23: {  	s18 =	simm.s32 $0x0  }
0x24: {  	v6 =	vld.idx.msk [tilespmem:v0+s18+$0x30 ss:$0x1], $0xffff  }
0x25: {  	v7 =	vld.idx.msk [tilespmem:v0+s18+$0xFFFFFFC0 ss:$0x1], $0xffff  }
0x26: {  	v5 =	vld.idx.msk [tilespmem:v0+s18+$0xFFFFFFD0 ss:$0x1], $0xffff  }
0x27: {  	v4 =	vld.idx.msk [tilespmem:v0+s18+$0xFFFFFFE0 ss:$0x1], $0xffff  }
0x28: {  	v3 =	vld.idx.msk [tilespmem:v0+s18+$0xFFFFFFF0 ss:$0x1], $0xffff  }
0x29: {  	v1 =	vld.idx.msk [tilespmem:v0+s18+$0x0 ss:$0x1], $0xffff  }
0x2a: {  	v2 =	vld.idx.msk [tilespmem:v0+s18+$0x10 ss:$0x1], $0xffff;
	[tilespmem:s13+$0x30] =	vst v6  }
0x2b: {  	s17 =	simm.s32 $0x80;
	s19 =	simm.s32 $0x400;
	[tilespmem:s13+$0xFFFFFFC0] =	vst v7;
	v6 =	vld.idx.msk [tilespmem:v0+s18+$0x20 ss:$0x1], $0xffff;
	s18 =	smov.u32 s13  }
.LBB1_4:
0x2c: {  	p1 =	sne.s32 s19, $0xE00;
	v7 =	vld.idx.msk [tilespmem:v0+s17+$0x30 ss:$0x1], $0xffff;
	[tilespmem:s18+$0xFFFFFFD0] =	vst v5  }
0x2d: {  	v8 =	vld.idx.msk [tilespmem:v0+s17+$0xFFFFFFC0 ss:$0x1], $0xffff;
	[tilespmem:s18+$0xFFFFFFE0] =	vst v4  }
0x2e: {  	v5 =	vld.idx.msk [tilespmem:v0+s17+$0xFFFFFFD0 ss:$0x1], $0xffff;
	[tilespmem:s18+$0xFFFFFFF0] =	vst v3  }
.Ltmp3:
0x2f: {  	v4 =	vld.idx.msk [tilespmem:v0+s17+$0xFFFFFFE0 ss:$0x1], $0xffff;
	[tilespmem:s18+$0x0] =	vst v1;
	(pc) =	sbr.rel @p1 .LBB1_4-.Ltmp3, $4  }
0x30: {  	v3 =	vld.idx.msk [tilespmem:v0+s17+$0xFFFFFFF0 ss:$0x1], $0xffff;
	[tilespmem:s18+$0x10] =	vst v2  }
0x31: {  	v1 =	vld.idx.msk [tilespmem:v0+s17+$0x0 ss:$0x1], $0xffff;
	[tilespmem:s18+$0x20] =	vst v6;
	s18 =	sadd.s32 $0x800, s18  }
0x32: {  	v2 =	vld.idx.msk [tilespmem:v0+s17+$0x10 ss:$0x1], $0xffff;
	[tilespmem:s18+$0x30] =	vst v7  }
0x33: {  	[tilespmem:s18+$0xFFFFFFC0] =	vst v8;
	v6 =	vld.idx.msk [tilespmem:v0+s17+$0x20 ss:$0x1], $0xffff;
	s17 =	sshra.s32 s19, $0x2;
	s19 =	sadd.s32 $0x200, s19  }
0x34: {  	_ =	sdelay $0x2  }
0x35: {  	[tilespmem:s18+$0xFFFFFFD0] =	vst v5  }
0x36: {  	v56 =	vld.idx.msk [tilespmem:v0+s17+$0x30 ss:$0x1], $0xffff;
	[tilespmem:s18+$0xFFFFFFE0] =	vst v4  }
0x37: {  	v57 =	vld.idx.msk [tilespmem:v0+s17+$0xFFFFFFC0 ss:$0x1], $0xffff;
	[tilespmem:s18+$0xFFFFFFF0] =	vst v3  }
0x38: {  	v58 =	vld.idx.msk [tilespmem:v0+s17+$0xFFFFFFD0 ss:$0x1], $0xffff;
	[tilespmem:s18+$0x0] =	vst v1  }
0x39: {  	v59 =	vld.idx.msk [tilespmem:v0+s17+$0xFFFFFFE0 ss:$0x1], $0xffff;
	[tilespmem:s18+$0x10] =	vst v2  }
0x3a: {  	v60 =	vld.idx.msk [tilespmem:v0+s17+$0xFFFFFFF0 ss:$0x1], $0xffff;
	s31 =	sadd.s32 $0x800, s18;
	[tilespmem:s18+$0x20] =	vst v6  }
0x3b: {  	v61 =	vld.idx.msk [tilespmem:v0+s17+$0x0 ss:$0x1], $0xffff;
	[tilespmem:s31+$0x30] =	vst v56  }
0x3c: {  	v62 =	vld.idx.msk [tilespmem:v0+s17+$0x10 ss:$0x1], $0xffff;
	s16 =	sadd.s32 $0x1, s16;
	[tilespmem:s31+$0xFFFFFFC0] =	vst v57  }
0x3d: {  	v63 =	vld.idx.msk [tilespmem:v0+s17+$0x20 ss:$0x1], $0xffff;
	p1 =	sne.s32 s16, $0x10;
	[tilespmem:s31+$0xFFFFFFD0] =	vst v58  }
.Ltmp4:
0x3e: {  	[tilespmem:s31+$0xFFFFFFE0] =	vst v59;
	(pc) =	sbr.rel @p1 .LBB1_3-.Ltmp4, $4  }
0x3f: {  	[tilespmem:s31+$0xFFFFFFF0] =	vst v60  }
0x40: {  	[tilespmem:s31+$0x0] =	vst v61  }
0x41: {  	[tilespmem:s31+$0x10] =	vst v62  }
0x42: {  	s13 =	sadd.s32 $0x80, s13;
	s15 =	sadd.s32 $0x400, s15;
	[tilespmem:s31+$0x20] =	vst v63  }
.Ltmp5:
0x43: {  	(pc) =	sbr.rel .LBB1_7-.Ltmp5, $4  }
0x44: {  	s12 =	sshll.u32 s12, $0xE;
	s11 =	sshll.u32 s11, $0x4  }
0x45: {  	s11 =	sand.u32 $0x7F0, s11;
	s12 =	sadd.s32 s2, s12  }
0x46: {  	s11 =	sadd.s32 s11, s12  }
0x47: {  	[hbm4b:s11+s6] =	stream.strided.scatter [tilespmem:s14], [sflag:$0x2], $0x4000, s7, s6, $0x38;
	[tilespmem:$0x10000] =	vst v63  }
.LBB1_8:
0x48: {  	_ =	sfence.sel $0x180000  }
0x49: {  	s2 =	simm.s32 $0x1;
	[bflag:$0x0] =	sbarrier.arrive $0xFFFF  }
0x4a: {  	s31 =	simm.s32 $0x2;
	[sflag:s2] =	ssyncpa.u1 $0x1  }
0x4b: {  	[sflag:s31] =	ssyncpa.u1 $0x1  }
0x4c: {  	p0 =	sne.s32 s1, $0x0;
	_ =	strace $0x90000053  }
0x4d: {  	s0 =	sadd.s32 @!p0 $0x100000, s0;
	[bflag:$0x2] =	sbarrier.arrive $0xFFFF  }
0x4e: {  	[sflag:s0] =	ssyncadd.tile.s32 @!p0 $0x1;
	_ =	shalt  }
.Lfunc_end1:
_tile_overlayer_lowered:
.L_overlay_start_2:
0x4f: {  	(tag) =	ssettag $0x2  }
0x50: {  	s0 =	rddreg [dreg:$0x0];
	s2 =	stileid.u32  }
0x51: {  	s1 =	rddreg [dreg:$0x1];
	p0 =	sne.s32 s2, $0x0  }
0x52: {  	s3 =	rddreg [dreg:$0x2];
	[bflag:$0x3] =	sbarrier.arrive $0xFFFF;
	s2 =	simm.s32 @!p0 $0x1C01  }
0x53: {  	[timem:s3], [sflag:s2] =	dma.local @!p0 [hbm:s0], s1  }
0x54: {  	s0 =	simm.s32 @!p0 $0x1  }
0x55: {  	_ =	swait.ge @!p0 [sflag:s0], s1  }
0x56: {  	s1 =	ssub.s32 @!p0 $0x0, s1;
	[sflag:s0] =	ssyncset.done @!p0 $0x0  }
0x57: {  	[sflag:s0] =	ssyncadd.s32 @!p0 s1  }
0x58: {  	[bflag:$0x3] =	sbarrier.arrive $0xFFFF  }
0x59: {  	_ =	shalt  }

</sc_bundles>
